<compile_context>
chip_gen: v7x
topology: tpu7x:2x2x1
jax: 0.10.2.dev20260603
libtpu: 0.0.44.dev20260713+nightly
codegen_flags: <defaults>
</compile_context>

<pallas_src>
import functools

import jax
import jax.numpy as jnp
from jax import lax
from jax.experimental import pallas as pl
from jax.experimental.pallas import tpu as pltpu
from jax.experimental.pallas import tpu_sc as plsc

B = 16384
D = 64
NBANDS = 7
OUT_D = NBANDS * D

NC = 2
NS = 16
NW = NC * NS
BPW = B // NW

_AS_BLOCK = 4096


def _assemble_body(p0_ref, p1_ref, p2_ref, xt_ref, w1_ref, b1_ref, w2_ref,
                   b2_ref, o_ref):
    o_ref[0 * 2 * D:1 * 2 * D, :] = p0_ref[...].T
    o_ref[1 * 2 * D:2 * 2 * D, :] = p1_ref[...].T
    o_ref[2 * 2 * D:3 * 2 * D, :] = p2_ref[...].T
    h = jnp.dot(w1_ref[...].T, xt_ref[...],
                preferred_element_type=jnp.float32)
    h = jnp.maximum(h + b1_ref[...], 0.0)
    o_ref[6 * D:, :] = (
        jnp.dot(w2_ref[...].T, h, preferred_element_type=jnp.float32)
        + b2_ref[...])


def _assemble_t(p0, p1, p2, xt, w1, b1, w2, b2):
    grid = (B // _AS_BLOCK,)
    band = pl.BlockSpec((_AS_BLOCK, 2 * D), lambda i: (i, 0))
    return pl.pallas_call(
        _assemble_body,
        grid=grid,
        in_specs=[
            band, band, band,
            pl.BlockSpec((D, _AS_BLOCK), lambda i: (0, i)),
            pl.BlockSpec((D, 32), lambda i: (0, 0)),
            pl.BlockSpec((32, 1), lambda i: (0, 0)),
            pl.BlockSpec((32, D), lambda i: (0, 0)),
            pl.BlockSpec((D, 1), lambda i: (0, 0)),
        ],
        out_specs=pl.BlockSpec((OUT_D, _AS_BLOCK), lambda i: (0, i)),
        out_shape=jax.ShapeDtypeStruct((OUT_D, B), jnp.float32),
        compiler_params=pltpu.CompilerParams(
            dimension_semantics=("parallel",)),
    )(p0, p1, p2, xt, w1, b1, w2, b2)


def _prep_chunk(v):
    return v if v <= 10000 else 12544


def _prep_body(xt_ref, o_ref):
    t = xt_ref[...].T
    half = t.shape[0] // 2
    o_ref[...] = jnp.concatenate([t[:half], t[half:]], axis=1)


def _prep(w):
    v = w.shape[0]
    chunk = _prep_chunk(v)
    nb = pl.cdiv(v, chunk)
    packed = pl.pallas_call(
        _prep_body,
        grid=(nb,),
        in_specs=[pl.BlockSpec((D, chunk), lambda i: (0, i))],
        out_specs=pl.BlockSpec((chunk // 2, 2 * D), lambda i: (i, 0)),
        out_shape=jax.ShapeDtypeStruct((nb * (chunk // 2), 2 * D),
                                       jnp.float32),
        compiler_params=pltpu.CompilerParams(
            dimension_semantics=("parallel",)),
    )(w.T)
    return packed.reshape(nb * chunk, D)


def _prep3_body(x0_ref, x1_ref, x2_ref, o0_ref, o1_ref, o2_ref):
    for x_ref, o_ref in ((x0_ref, o0_ref), (x1_ref, o1_ref),
                         (x2_ref, o2_ref)):
        t = x_ref[...].T
        half = t.shape[0] // 2
        o_ref[...] = jnp.concatenate([t[:half], t[half:]], axis=1)


def _prep3(w0, w1, w2):
    v = w0.shape[0]
    spec = pl.BlockSpec((D, v), lambda: (0, 0))
    ospec = pl.BlockSpec((v // 2, 2 * D), lambda: (0, 0))
    oshape = jax.ShapeDtypeStruct((v // 2, 2 * D), jnp.float32)
    outs = pl.pallas_call(
        _prep3_body,
        in_specs=[spec, spec, spec],
        out_specs=[ospec, ospec, ospec],
        out_shape=[oshape, oshape, oshape],
    )(w0.T, w1.T, w2.T)
    return [o.reshape(v, D) for o in outs]


def _permute_idx(i, v):
    ch = _prep_chunk(v)
    blk, j = i // ch, i % ch
    odd = j >= ch // 2
    jj = jnp.where(odd, j - ch // 2, j)
    return 2 * (blk * (ch // 2) + jj) + odd.astype(jnp.int32)


_sc_mesh = plsc.VectorSubcoreMesh(core_axis_name="c", subcore_axis_name="s")


def _make_sc_gather(nf):
    @functools.partial(
        pl.kernel,
        mesh=_sc_mesh,
        out_type=tuple(jax.ShapeDtypeStruct((B, 2 * D), jnp.float32)
                       for _ in range(nf // 2)),
        scratch_types=[
            pltpu.VMEM((BPW,), jnp.int32),
            pltpu.VMEM((BPW,), jnp.int32),
            pltpu.VMEM((BPW, D), jnp.float32),
            pltpu.VMEM((BPW, D), jnp.float32),
            pltpu.SemaphoreType.DMA,
            pltpu.SemaphoreType.DMA,
            pltpu.SemaphoreType.DMA,
        ],
        compiler_params=pltpu.CompilerParams(use_tc_tiling_on_sc=False),
    )
    def gather(*args):
        idxs = args[:nf]
        tabs = args[nf:2 * nf]
        outs = args[2 * nf:2 * nf + nf // 2]
        idx_a, idx_b, rows_a, rows_b, gsem_a, gsem_b, wsem = \
            args[2 * nf + nf // 2:]
        wid = lax.axis_index("s") * NC + lax.axis_index("c")
        base = wid * BPW
        idx_bufs = (idx_a, idx_b)
        row_bufs = (rows_a, rows_b)
        gsems = (gsem_a, gsem_b)
        gathers = []
        pltpu.sync_copy(idxs[0].at[pl.ds(base, BPW)], idx_a)
        gathers.append(pltpu.async_copy(tabs[0].at[idx_a], rows_a, gsem_a))
        writes = []
        for f in range(nf):
            if f < nf - 1:
                nidx = idx_bufs[(f + 1) % 2]
                pltpu.sync_copy(idxs[f + 1].at[pl.ds(base, BPW)], nidx)
            gathers[f].wait()
            if f >= 1:
                writes[f - 1].wait()
            if f < nf - 1:
                gathers.append(pltpu.async_copy(
                    tabs[f + 1].at[nidx], row_bufs[(f + 1) % 2],
                    gsems[(f + 1) % 2]))
            writes.append(pltpu.async_copy(
                row_bufs[f % 2],
                outs[f // 2].at[pl.ds(base, BPW), pl.ds((f % 2) * D, D)],
                wsem))
        writes[nf - 1].wait()

    return gather


_sc_gather4 = _make_sc_gather(4)
_sc_gather2 = _make_sc_gather(2)


def kernel(num_features, roast_level, test_method, price_tier, countries,
           countries_offsets, process, process_offsets, varietals,
           varietals_offsets, W_roast, W_test, W_price, W_countries,
           W_process, W_varietals, W1, b1, W2, b2):
    idx = [roast_level.astype(jnp.int32), test_method.astype(jnp.int32),
           price_tier.astype(jnp.int32), countries.astype(jnp.int32),
           process.astype(jnp.int32), varietals.astype(jnp.int32)]
    ws = (W_roast, W_test, W_price, W_countries, W_process, W_varietals)
    tabs = _prep3(W_roast, W_test, W_price)
    tabs += [_prep(W) for W in (W_countries, W_process, W_varietals)]
    perm = [_permute_idx(i, W.shape[0]) for i, W in zip(idx, ws)]
    p0, p1 = _sc_gather4(*perm[:4], *tabs[:4])
    (p2,) = _sc_gather2(*perm[4:], *tabs[4:])
    out_t = _assemble_t(p0, p1, p2, num_features.T, W1, b1.reshape(32, 1),
                        W2, b2.reshape(D, 1))
    return out_t.T

# --- scband reference (transcript-rebuilt; emitter-appended) ---
"""Pipeline reference for scband-metadata-encoder-16320875725013 (READ-ONLY COPY).

The authoritative reference and input builder live on the scoring server;
editing this copy changes nothing except your own understanding.
"""

import jax, jax.numpy as jnp
import numpy as np

B = 16384
D = 64
NUM_DIM = 64
V_ROAST = 1000
V_TEST = 1000
V_PRICE = 1000
V_COUNTRIES = 100000
V_PROCESS = 10000
V_VARIETALS = 100000


def embedding_bag_mean(table, indices, offsets):
    total = indices.shape[0]
    seg = jnp.searchsorted(offsets, jnp.arange(total), side='right') - 1
    gathered = jnp.take(table, indices, axis=0)
    summed = jax.ops.segment_sum(gathered, seg, num_segments=offsets.shape[0])
    counts = jax.ops.segment_sum(jnp.ones((total,), dtype=table.dtype), seg, num_segments=offsets.shape[0])
    return summed / jnp.maximum(counts, 1.0)[:, None]


def setup_inputs(seed: int = 0) -> dict:
    key = jax.random.key(seed)
    ks = jax.random.split(key, 20)
    inp = {}
    inp['num_features'] = jax.random.normal(ks[0], (B, NUM_DIM), dtype=jnp.float32)
    inp['roast_level'] = jax.random.randint(ks[1], (B,), 0, V_ROAST)
    inp['test_method'] = jax.random.randint(ks[2], (B,), 0, V_TEST)
    inp['price_tier'] = jax.random.randint(ks[3], (B,), 0, V_PRICE)
    inp['countries'] = jax.random.randint(ks[4], (B,), 0, V_COUNTRIES)
    inp['countries_offsets'] = jnp.arange(B)
    inp['process'] = jax.random.randint(ks[5], (B,), 0, V_PROCESS)
    inp['process_offsets'] = jnp.arange(B)
    inp['varietals'] = jax.random.randint(ks[6], (B,), 0, V_VARIETALS)
    inp['varietals_offsets'] = jnp.arange(B)
    inp['W_roast'] = jax.random.normal(ks[7], (V_ROAST, D), dtype=jnp.float32) * 0.02
    inp['W_test'] = jax.random.normal(ks[8], (V_TEST, D), dtype=jnp.float32) * 0.02
    inp['W_price'] = jax.random.normal(ks[9], (V_PRICE, D), dtype=jnp.float32) * 0.02
    inp['W_countries'] = jax.random.normal(ks[10], (V_COUNTRIES, D), dtype=jnp.float32) * 0.02
    inp['W_process'] = jax.random.normal(ks[11], (V_PROCESS, D), dtype=jnp.float32) * 0.02
    inp['W_varietals'] = jax.random.normal(ks[12], (V_VARIETALS, D), dtype=jnp.float32) * 0.02
    inp['W1'] = jax.random.normal(ks[13], (NUM_DIM, 32), dtype=jnp.float32) * 0.05
    inp['b1'] = jnp.zeros((32,), dtype=jnp.float32)
    inp['W2'] = jax.random.normal(ks[14], (32, D), dtype=jnp.float32) * 0.05
    inp['b2'] = jnp.zeros((D,), dtype=jnp.float32)
    return inp


def reference(num_features, roast_level, test_method, price_tier, countries, countries_offsets, process, process_offsets, varietals, varietals_offsets, W_roast, W_test, W_price, W_countries, W_process, W_varietals, W1, b1, W2, b2):
    roast_emb = jnp.take(W_roast, roast_level, axis=0)
    test_emb = jnp.take(W_test, test_method, axis=0)
    price_emb = jnp.take(W_price, price_tier, axis=0)
    countries_emb = embedding_bag_mean(W_countries, countries, countries_offsets)
    process_emb = embedding_bag_mean(W_process, process, process_offsets)
    varietals_emb = embedding_bag_mean(W_varietals, varietals, varietals_offsets)
    h = jnp.maximum(num_features @ W1 + b1, 0.0)
    num_emb = h @ W2 + b2
    return jnp.concatenate([roast_emb, test_emb, price_emb, countries_emb, process_emb, varietals_emb, num_emb], axis=-1)

if __name__ == "__main__":
    import jax
    _d = setup_inputs()
    print(jax.jit(kernel)(*tuple(_d.values())))

</pallas_src>

<mosaic_0001>
#map = affine_map<(d0, d1) -> (0)>
#map1 = affine_map<(d0, d1) -> (0, 0)>
module attributes {stable_mosaic.version = 14 : i64} {
  func.func @gather(%arg0: i32, %arg1: i32, %arg2: memref<16384xi32, #tpu.memory_space<hbm>>, %arg3: memref<16384xi32, #tpu.memory_space<hbm>>, %arg4: memref<16384xi32, #tpu.memory_space<hbm>>, %arg5: memref<16384xi32, #tpu.memory_space<hbm>>, %arg6: memref<1000x64xf32, #tpu.memory_space<hbm>>, %arg7: memref<1000x64xf32, #tpu.memory_space<hbm>>, %arg8: memref<1000x64xf32, #tpu.memory_space<hbm>>, %arg9: memref<100352x64xf32, #tpu.memory_space<hbm>>, %arg10: memref<16384x128xf32, #tpu.memory_space<hbm>>, %arg11: memref<16384x128xf32, #tpu.memory_space<hbm>>, %arg12: memref<512xi32, #tpu.memory_space<vmem>>, %arg13: memref<512xi32, #tpu.memory_space<vmem>>, %arg14: memref<512x64xf32, #tpu.memory_space<vmem>>, %arg15: memref<512x64xf32, #tpu.memory_space<vmem>>, %arg16: memref<!tpu.dma_semaphore, #tpu.memory_space<semaphore_mem>>, %arg17: memref<!tpu.dma_semaphore, #tpu.memory_space<semaphore_mem>>, %arg18: memref<!tpu.dma_semaphore, #tpu.memory_space<semaphore_mem>>) attributes {dimension_semantics = [#tpu.dimension_semantics<core_parallel>, #tpu.dimension_semantics<subcore_parallel>], iteration_bounds = array<i64: 2, 16>, scalar_prefetch = 0 : i64, scratch_operands = 7 : i64, tpu.core_type = #tpu.core_type<sc_vector_subcore>, window_params = [{transform_indices = #map}, {transform_indices = #map}, {transform_indices = #map}, {transform_indices = #map}, {transform_indices = #map1}, {transform_indices = #map1}, {transform_indices = #map1}, {transform_indices = #map1}, {transform_indices = #map1}, {transform_indices = #map1}]} {
    %mul3A = arith.constant 2 : i32
    %mul3A_0 = arith.muli %arg1, %mul3A : i32
    %add3A = arith.addi %mul3A_0, %arg0 : i32
    %mul3A_1 = arith.constant 512 : i32
    %mul3A_2 = arith.muli %add3A, %mul3A_1 : i32
    "tpu.region"() ({
      %run_scoped3A = tpu.sem_alloc : memref<!tpu.dma_semaphore, #tpu.memory_space<semaphore_mem>>
      %dma_start3A_57 = tpu.memref_slice %arg2[%mul3A_2] : memref<16384xi32, #tpu.memory_space<hbm>> -> memref<512xi32, #tpu.memory_space<hbm>>
      %dma_start3A_58 = tpu.memref_slice %arg2[%mul3A_2] : memref<16384xi32, #tpu.memory_space<hbm>> -> memref<512xi32, #tpu.memory_space<hbm>>
      tpu.enqueue_dma source(%dma_start3A_58 : memref<512xi32, #tpu.memory_space<hbm>>) target(%arg12 : memref<512xi32, #tpu.memory_space<vmem>>) target_semaphore(%run_scoped3A : memref<!tpu.dma_semaphore, #tpu.memory_space<semaphore_mem>>)
      %dma_wait3A_59 = tpu.memref_slice %arg2[%mul3A_2] : memref<16384xi32, #tpu.memory_space<hbm>> -> memref<512xi32, #tpu.memory_space<hbm>>
      %dma_wait3A_60 = tpu.memref_slice %arg2[%mul3A_2] : memref<16384xi32, #tpu.memory_space<hbm>> -> memref<512xi32, #tpu.memory_space<hbm>>
      tpu.wait_dma2 semaphore(%run_scoped3A : memref<!tpu.dma_semaphore, #tpu.memory_space<semaphore_mem>>) src(%dma_wait3A_60 : memref<512xi32, #tpu.memory_space<hbm>>) dst(%arg12 : memref<512xi32, #tpu.memory_space<vmem>>)
      tpu.yield
    }) : () -> ()
    %dma_start3A = arith.constant 0 : i32
    %dma_start3A_3 = arith.constant 0 : i32
    %dma_start3A_4 = tpu.memref_slice %arg6[%dma_start3A, %dma_start3A_3] : memref<1000x64xf32, #tpu.memory_space<hbm>> -> memref<1000x64xf32, #tpu.memory_space<hbm>>
    tpu.enqueue_indirect_dma source(%dma_start3A_4 : memref<1000x64xf32, #tpu.memory_space<hbm>>) target(%arg14 : memref<512x64xf32, #tpu.memory_space<vmem>>) offsets(%arg12 : memref<512xi32, #tpu.memory_space<vmem>>) semaphore(%arg16 : memref<!tpu.dma_semaphore, #tpu.memory_space<semaphore_mem>>)
    "tpu.region"() ({
      %run_scoped3A = tpu.sem_alloc : memref<!tpu.dma_semaphore, #tpu.memory_space<semaphore_mem>>
      %dma_start3A_57 = tpu.memref_slice %arg3[%mul3A_2] : memref<16384xi32, #tpu.memory_space<hbm>> -> memref<512xi32, #tpu.memory_space<hbm>>
      %dma_start3A_58 = tpu.memref_slice %arg3[%mul3A_2] : memref<16384xi32, #tpu.memory_space<hbm>> -> memref<512xi32, #tpu.memory_space<hbm>>
      tpu.enqueue_dma source(%dma_start3A_58 : memref<512xi32, #tpu.memory_space<hbm>>) target(%arg13 : memref<512xi32, #tpu.memory_space<vmem>>) target_semaphore(%run_scoped3A : memref<!tpu.dma_semaphore, #tpu.memory_space<semaphore_mem>>)
      %dma_wait3A_59 = tpu.memref_slice %arg3[%mul3A_2] : memref<16384xi32, #tpu.memory_space<hbm>> -> memref<512xi32, #tpu.memory_space<hbm>>
      %dma_wait3A_60 = tpu.memref_slice %arg3[%mul3A_2] : memref<16384xi32, #tpu.memory_space<hbm>> -> memref<512xi32, #tpu.memory_space<hbm>>
      tpu.wait_dma2 semaphore(%run_scoped3A : memref<!tpu.dma_semaphore, #tpu.memory_space<semaphore_mem>>) src(%dma_wait3A_60 : memref<512xi32, #tpu.memory_space<hbm>>) dst(%arg13 : memref<512xi32, #tpu.memory_space<vmem>>)
      tpu.yield
    }) : () -> ()
    %dma_wait3A = arith.constant 0 : i32
    %dma_wait3A_5 = arith.constant 0 : i32
    %dma_wait3A_6 = tpu.memref_slice %arg6[%dma_wait3A, %dma_wait3A_5] : memref<1000x64xf32, #tpu.memory_space<hbm>> -> memref<1000x64xf32, #tpu.memory_space<hbm>>
    tpu.wait_indirect_dma semaphore(%arg16 : memref<!tpu.dma_semaphore, #tpu.memory_space<semaphore_mem>>) src(%dma_wait3A_6 : memref<1000x64xf32, #tpu.memory_space<hbm>>) dst(%arg14 : memref<512x64xf32, #tpu.memory_space<vmem>>)
    %dma_start3A_7 = arith.constant 0 : i32
    %dma_start3A_8 = arith.constant 0 : i32
    %dma_start3A_9 = tpu.memref_slice %arg7[%dma_start3A_7, %dma_start3A_8] : memref<1000x64xf32, #tpu.memory_space<hbm>> -> memref<1000x64xf32, #tpu.memory_space<hbm>>
    tpu.enqueue_indirect_dma source(%dma_start3A_9 : memref<1000x64xf32, #tpu.memory_space<hbm>>) target(%arg15 : memref<512x64xf32, #tpu.memory_space<vmem>>) offsets(%arg13 : memref<512xi32, #tpu.memory_space<vmem>>) semaphore(%arg17 : memref<!tpu.dma_semaphore, #tpu.memory_space<semaphore_mem>>)
    %dma_start3A_10 = arith.constant 0 : i32
    %dma_start3A_11 = tpu.memref_slice %arg10[%mul3A_2, %dma_start3A_10] : memref<16384x128xf32, #tpu.memory_space<hbm>> -> memref<512x64xf32, #tpu.memory_space<hbm>>
    %dma_start3A_12 = arith.constant 0 : i32
    %dma_start3A_13 = tpu.memref_slice %arg10[%mul3A_2, %dma_start3A_12] : memref<16384x128xf32, #tpu.memory_space<hbm>> -> memref<512x64xf32, #tpu.memory_space<hbm>>
    tpu.enqueue_dma source(%arg14 : memref<512x64xf32, #tpu.memory_space<vmem>>) target(%dma_start3A_13 : memref<512x64xf32, #tpu.memory_space<hbm>>) target_semaphore(%arg18 : memref<!tpu.dma_semaphore, #tpu.memory_space<semaphore_mem>>)
    "tpu.region"() ({
      %run_scoped3A = tpu.sem_alloc : memref<!tpu.dma_semaphore, #tpu.memory_space<semaphore_mem>>
      %dma_start3A_57 = tpu.memref_slice %arg4[%mul3A_2] : memref<16384xi32, #tpu.memory_space<hbm>> -> memref<512xi32, #tpu.memory_space<hbm>>
      %dma_start3A_58 = tpu.memref_slice %arg4[%mul3A_2] : memref<16384xi32, #tpu.memory_space<hbm>> -> memref<512xi32, #tpu.memory_space<hbm>>
      tpu.enqueue_dma source(%dma_start3A_58 : memref<512xi32, #tpu.memory_space<hbm>>) target(%arg12 : memref<512xi32, #tpu.memory_space<vmem>>) target_semaphore(%run_scoped3A : memref<!tpu.dma_semaphore, #tpu.memory_space<semaphore_mem>>)
      %dma_wait3A_59 = tpu.memref_slice %arg4[%mul3A_2] : memref<16384xi32, #tpu.memory_space<hbm>> -> memref<512xi32, #tpu.memory_space<hbm>>
      %dma_wait3A_60 = tpu.memref_slice %arg4[%mul3A_2] : memref<16384xi32, #tpu.memory_space<hbm>> -> memref<512xi32, #tpu.memory_space<hbm>>
      tpu.wait_dma2 semaphore(%run_scoped3A : memref<!tpu.dma_semaphore, #tpu.memory_space<semaphore_mem>>) src(%dma_wait3A_60 : memref<512xi32, #tpu.memory_space<hbm>>) dst(%arg12 : memref<512xi32, #tpu.memory_space<vmem>>)
      tpu.yield
    }) : () -> ()
    %dma_wait3A_14 = arith.constant 0 : i32
    %dma_wait3A_15 = arith.constant 0 : i32
    %dma_wait3A_16 = tpu.memref_slice %arg7[%dma_wait3A_14, %dma_wait3A_15] : memref<1000x64xf32, #tpu.memory_space<hbm>> -> memref<1000x64xf32, #tpu.memory_space<hbm>>
    tpu.wait_indirect_dma semaphore(%arg17 : memref<!tpu.dma_semaphore, #tpu.memory_space<semaphore_mem>>) src(%dma_wait3A_16 : memref<1000x64xf32, #tpu.memory_space<hbm>>) dst(%arg15 : memref<512x64xf32, #tpu.memory_space<vmem>>)
    %dma_wait3A_17 = arith.constant 0 : i32
    %dma_wait3A_18 = tpu.memref_slice %arg10[%mul3A_2, %dma_wait3A_17] : memref<16384x128xf32, #tpu.memory_space<hbm>> -> memref<512x64xf32, #tpu.memory_space<hbm>>
    %dma_wait3A_19 = arith.constant 0 : i32
    %dma_wait3A_20 = tpu.memref_slice %arg10[%mul3A_2, %dma_wait3A_19] : memref<16384x128xf32, #tpu.memory_space<hbm>> -> memref<512x64xf32, #tpu.memory_space<hbm>>
    tpu.wait_dma2 semaphore(%arg18 : memref<!tpu.dma_semaphore, #tpu.memory_space<semaphore_mem>>) src(%arg14 : memref<512x64xf32, #tpu.memory_space<vmem>>) dst(%dma_wait3A_20 : memref<512x64xf32, #tpu.memory_space<hbm>>)
    %dma_start3A_21 = arith.constant 0 : i32
    %dma_start3A_22 = arith.constant 0 : i32
    %dma_start3A_23 = tpu.memref_slice %arg8[%dma_start3A_21, %dma_start3A_22] : memref<1000x64xf32, #tpu.memory_space<hbm>> -> memref<1000x64xf32, #tpu.memory_space<hbm>>
    tpu.enqueue_indirect_dma source(%dma_start3A_23 : memref<1000x64xf32, #tpu.memory_space<hbm>>) target(%arg14 : memref<512x64xf32, #tpu.memory_space<vmem>>) offsets(%arg12 : memref<512xi32, #tpu.memory_space<vmem>>) semaphore(%arg16 : memref<!tpu.dma_semaphore, #tpu.memory_space<semaphore_mem>>)
    %dma_start3A_24 = arith.constant 64 : i32
    %dma_start3A_25 = tpu.memref_slice %arg10[%mul3A_2, %dma_start3A_24] : memref<16384x128xf32, #tpu.memory_space<hbm>> -> memref<512x64xf32, #tpu.memory_space<hbm>>
    %dma_start3A_26 = arith.constant 64 : i32
    %dma_start3A_27 = tpu.memref_slice %arg10[%mul3A_2, %dma_start3A_26] : memref<16384x128xf32, #tpu.memory_space<hbm>> -> memref<512x64xf32, #tpu.memory_space<hbm>>
    tpu.enqueue_dma source(%arg15 : memref<512x64xf32, #tpu.memory_space<vmem>>) target(%dma_start3A_27 : memref<512x64xf32, #tpu.memory_space<hbm>>) target_semaphore(%arg18 : memref<!tpu.dma_semaphore, #tpu.memory_space<semaphore_mem>>)
    "tpu.region"() ({
      %run_scoped3A = tpu.sem_alloc : memref<!tpu.dma_semaphore, #tpu.memory_space<semaphore_mem>>
      %dma_start3A_57 = tpu.memref_slice %arg5[%mul3A_2] : memref<16384xi32, #tpu.memory_space<hbm>> -> memref<512xi32, #tpu.memory_space<hbm>>
      %dma_start3A_58 = tpu.memref_slice %arg5[%mul3A_2] : memref<16384xi32, #tpu.memory_space<hbm>> -> memref<512xi32, #tpu.memory_space<hbm>>
      tpu.enqueue_dma source(%dma_start3A_58 : memref<512xi32, #tpu.memory_space<hbm>>) target(%arg13 : memref<512xi32, #tpu.memory_space<vmem>>) target_semaphore(%run_scoped3A : memref<!tpu.dma_semaphore, #tpu.memory_space<semaphore_mem>>)
      %dma_wait3A_59 = tpu.memref_slice %arg5[%mul3A_2] : memref<16384xi32, #tpu.memory_space<hbm>> -> memref<512xi32, #tpu.memory_space<hbm>>
      %dma_wait3A_60 = tpu.memref_slice %arg5[%mul3A_2] : memref<16384xi32, #tpu.memory_space<hbm>> -> memref<512xi32, #tpu.memory_space<hbm>>
      tpu.wait_dma2 semaphore(%run_scoped3A : memref<!tpu.dma_semaphore, #tpu.memory_space<semaphore_mem>>) src(%dma_wait3A_60 : memref<512xi32, #tpu.memory_space<hbm>>) dst(%arg13 : memref<512xi32, #tpu.memory_space<vmem>>)
      tpu.yield
    }) : () -> ()
    %dma_wait3A_28 = arith.constant 0 : i32
    %dma_wait3A_29 = arith.constant 0 : i32
    %dma_wait3A_30 = tpu.memref_slice %arg8[%dma_wait3A_28, %dma_wait3A_29] : memref<1000x64xf32, #tpu.memory_space<hbm>> -> memref<1000x64xf32, #tpu.memory_space<hbm>>
    tpu.wait_indirect_dma semaphore(%arg16 : memref<!tpu.dma_semaphore, #tpu.memory_space<semaphore_mem>>) src(%dma_wait3A_30 : memref<1000x64xf32, #tpu.memory_space<hbm>>) dst(%arg14 : memref<512x64xf32, #tpu.memory_space<vmem>>)
    %dma_wait3A_31 = arith.constant 64 : i32
    %dma_wait3A_32 = tpu.memref_slice %arg10[%mul3A_2, %dma_wait3A_31] : memref<16384x128xf32, #tpu.memory_space<hbm>> -> memref<512x64xf32, #tpu.memory_space<hbm>>
    %dma_wait3A_33 = arith.constant 64 : i32
    %dma_wait3A_34 = tpu.memref_slice %arg10[%mul3A_2, %dma_wait3A_33] : memref<16384x128xf32, #tpu.memory_space<hbm>> -> memref<512x64xf32, #tpu.memory_space<hbm>>
    tpu.wait_dma2 semaphore(%arg18 : memref<!tpu.dma_semaphore, #tpu.memory_space<semaphore_mem>>) src(%arg15 : memref<512x64xf32, #tpu.memory_space<vmem>>) dst(%dma_wait3A_34 : memref<512x64xf32, #tpu.memory_space<hbm>>)
    %dma_start3A_35 = arith.constant 0 : i32
    %dma_start3A_36 = arith.constant 0 : i32
    %dma_start3A_37 = tpu.memref_slice %arg9[%dma_start3A_35, %dma_start3A_36] : memref<100352x64xf32, #tpu.memory_space<hbm>> -> memref<100352x64xf32, #tpu.memory_space<hbm>>
    tpu.enqueue_indirect_dma source(%dma_start3A_37 : memref<100352x64xf32, #tpu.memory_space<hbm>>) target(%arg15 : memref<512x64xf32, #tpu.memory_space<vmem>>) offsets(%arg13 : memref<512xi32, #tpu.memory_space<vmem>>) semaphore(%arg17 : memref<!tpu.dma_semaphore, #tpu.memory_space<semaphore_mem>>)
    %dma_start3A_38 = arith.constant 0 : i32
    %dma_start3A_39 = tpu.memref_slice %arg11[%mul3A_2, %dma_start3A_38] : memref<16384x128xf32, #tpu.memory_space<hbm>> -> memref<512x64xf32, #tpu.memory_space<hbm>>
    %dma_start3A_40 = arith.constant 0 : i32
    %dma_start3A_41 = tpu.memref_slice %arg11[%mul3A_2, %dma_start3A_40] : memref<16384x128xf32, #tpu.memory_space<hbm>> -> memref<512x64xf32, #tpu.memory_space<hbm>>
    tpu.enqueue_dma source(%arg14 : memref<512x64xf32, #tpu.memory_space<vmem>>) target(%dma_start3A_41 : memref<512x64xf32, #tpu.memory_space<hbm>>) target_semaphore(%arg18 : memref<!tpu.dma_semaphore, #tpu.memory_space<semaphore_mem>>)
    %dma_wait3A_42 = arith.constant 0 : i32
    %dma_wait3A_43 = arith.constant 0 : i32
    %dma_wait3A_44 = tpu.memref_slice %arg9[%dma_wait3A_42, %dma_wait3A_43] : memref<100352x64xf32, #tpu.memory_space<hbm>> -> memref<100352x64xf32, #tpu.memory_space<hbm>>
    tpu.wait_indirect_dma semaphore(%arg17 : memref<!tpu.dma_semaphore, #tpu.memory_space<semaphore_mem>>) src(%dma_wait3A_44 : memref<100352x64xf32, #tpu.memory_space<hbm>>) dst(%arg15 : memref<512x64xf32, #tpu.memory_space<vmem>>)
    %dma_wait3A_45 = arith.constant 0 : i32
    %dma_wait3A_46 = tpu.memref_slice %arg11[%mul3A_2, %dma_wait3A_45] : memref<16384x128xf32, #tpu.memory_space<hbm>> -> memref<512x64xf32, #tpu.memory_space<hbm>>
    %dma_wait3A_47 = arith.constant 0 : i32
    %dma_wait3A_48 = tpu.memref_slice %arg11[%mul3A_2, %dma_wait3A_47] : memref<16384x128xf32, #tpu.memory_space<hbm>> -> memref<512x64xf32, #tpu.memory_space<hbm>>
    tpu.wait_dma2 semaphore(%arg18 : memref<!tpu.dma_semaphore, #tpu.memory_space<semaphore_mem>>) src(%arg14 : memref<512x64xf32, #tpu.memory_space<vmem>>) dst(%dma_wait3A_48 : memref<512x64xf32, #tpu.memory_space<hbm>>)
    %dma_start3A_49 = arith.constant 64 : i32
    %dma_start3A_50 = tpu.memref_slice %arg11[%mul3A_2, %dma_start3A_49] : memref<16384x128xf32, #tpu.memory_space<hbm>> -> memref<512x64xf32, #tpu.memory_space<hbm>>
    %dma_start3A_51 = arith.constant 64 : i32
    %dma_start3A_52 = tpu.memref_slice %arg11[%mul3A_2, %dma_start3A_51] : memref<16384x128xf32, #tpu.memory_space<hbm>> -> memref<512x64xf32, #tpu.memory_space<hbm>>
    tpu.enqueue_dma source(%arg15 : memref<512x64xf32, #tpu.memory_space<vmem>>) target(%dma_start3A_52 : memref<512x64xf32, #tpu.memory_space<hbm>>) target_semaphore(%arg18 : memref<!tpu.dma_semaphore, #tpu.memory_space<semaphore_mem>>)
    %dma_wait3A_53 = arith.constant 64 : i32
    %dma_wait3A_54 = tpu.memref_slice %arg11[%mul3A_2, %dma_wait3A_53] : memref<16384x128xf32, #tpu.memory_space<hbm>> -> memref<512x64xf32, #tpu.memory_space<hbm>>
    %dma_wait3A_55 = arith.constant 64 : i32
    %dma_wait3A_56 = tpu.memref_slice %arg11[%mul3A_2, %dma_wait3A_55] : memref<16384x128xf32, #tpu.memory_space<hbm>> -> memref<512x64xf32, #tpu.memory_space<hbm>>
    tpu.wait_dma2 semaphore(%arg18 : memref<!tpu.dma_semaphore, #tpu.memory_space<semaphore_mem>>) src(%arg15 : memref<512x64xf32, #tpu.memory_space<vmem>>) dst(%dma_wait3A_56 : memref<512x64xf32, #tpu.memory_space<hbm>>)
    return
  }
}

#map = affine_map<(d0, d1) -> (0)>
#map1 = affine_map<(d0, d1) -> (0, 0)>
module attributes {stable_mosaic.version = 14 : i64} {
  func.func @gather(%arg0: i32, %arg1: i32, %arg2: memref<16384xi32, #tpu.memory_space<hbm>>, %arg3: memref<16384xi32, #tpu.memory_space<hbm>>, %arg4: memref<10000x64xf32, #tpu.memory_space<hbm>>, %arg5: memref<100352x64xf32, #tpu.memory_space<hbm>>, %arg6: memref<16384x128xf32, #tpu.memory_space<hbm>>, %arg7: memref<512xi32, #tpu.memory_space<vmem>>, %arg8: memref<512xi32, #tpu.memory_space<vmem>>, %arg9: memref<512x64xf32, #tpu.memory_space<vmem>>, %arg10: memref<512x64xf32, #tpu.memory_space<vmem>>, %arg11: memref<!tpu.dma_semaphore, #tpu.memory_space<semaphore_mem>>, %arg12: memref<!tpu.dma_semaphore, #tpu.memory_space<semaphore_mem>>, %arg13: memref<!tpu.dma_semaphore, #tpu.memory_space<semaphore_mem>>) attributes {dimension_semantics = [#tpu.dimension_semantics<core_parallel>, #tpu.dimension_semantics<subcore_parallel>], iteration_bounds = array<i64: 2, 16>, scalar_prefetch = 0 : i64, scratch_operands = 7 : i64, tpu.core_type = #tpu.core_type<sc_vector_subcore>, window_params = [{transform_indices = #map}, {transform_indices = #map}, {transform_indices = #map1}, {transform_indices = #map1}, {transform_indices = #map1}]} {
    %mul3A = arith.constant 2 : i32
    %mul3A_0 = arith.muli %arg1, %mul3A : i32
    %add3A = arith.addi %mul3A_0, %arg0 : i32
    %mul3A_1 = arith.constant 512 : i32
    %mul3A_2 = arith.muli %add3A, %mul3A_1 : i32
    "tpu.region"() ({
      %run_scoped3A = tpu.sem_alloc : memref<!tpu.dma_semaphore, #tpu.memory_space<semaphore_mem>>
      %dma_start3A_29 = tpu.memref_slice %arg2[%mul3A_2] : memref<16384xi32, #tpu.memory_space<hbm>> -> memref<512xi32, #tpu.memory_space<hbm>>
      %dma_start3A_30 = tpu.memref_slice %arg2[%mul3A_2] : memref<16384xi32, #tpu.memory_space<hbm>> -> memref<512xi32, #tpu.memory_space<hbm>>
      tpu.enqueue_dma source(%dma_start3A_30 : memref<512xi32, #tpu.memory_space<hbm>>) target(%arg7 : memref<512xi32, #tpu.memory_space<vmem>>) target_semaphore(%run_scoped3A : memref<!tpu.dma_semaphore, #tpu.memory_space<semaphore_mem>>)
      %dma_wait3A_31 = tpu.memref_slice %arg2[%mul3A_2] : memref<16384xi32, #tpu.memory_space<hbm>> -> memref<512xi32, #tpu.memory_space<hbm>>
      %dma_wait3A_32 = tpu.memref_slice %arg2[%mul3A_2] : memref<16384xi32, #tpu.memory_space<hbm>> -> memref<512xi32, #tpu.memory_space<hbm>>
      tpu.wait_dma2 semaphore(%run_scoped3A : memref<!tpu.dma_semaphore, #tpu.memory_space<semaphore_mem>>) src(%dma_wait3A_32 : memref<512xi32, #tpu.memory_space<hbm>>) dst(%arg7 : memref<512xi32, #tpu.memory_space<vmem>>)
      tpu.yield
    }) : () -> ()
    %dma_start3A = arith.constant 0 : i32
    %dma_start3A_3 = arith.constant 0 : i32
    %dma_start3A_4 = tpu.memref_slice %arg4[%dma_start3A, %dma_start3A_3] : memref<10000x64xf32, #tpu.memory_space<hbm>> -> memref<10000x64xf32, #tpu.memory_space<hbm>>
    tpu.enqueue_indirect_dma source(%dma_start3A_4 : memref<10000x64xf32, #tpu.memory_space<hbm>>) target(%arg9 : memref<512x64xf32, #tpu.memory_space<vmem>>) offsets(%arg7 : memref<512xi32, #tpu.memory_space<vmem>>) semaphore(%arg11 : memref<!tpu.dma_semaphore, #tpu.memory_space<semaphore_mem>>)
    "tpu.region"() ({
      %run_scoped3A = tpu.sem_alloc : memref<!tpu.dma_semaphore, #tpu.memory_space<semaphore_mem>>
      %dma_start3A_29 = tpu.memref_slice %arg3[%mul3A_2] : memref<16384xi32, #tpu.memory_space<hbm>> -> memref<512xi32, #tpu.memory_space<hbm>>
      %dma_start3A_30 = tpu.memref_slice %arg3[%mul3A_2] : memref<16384xi32, #tpu.memory_space<hbm>> -> memref<512xi32, #tpu.memory_space<hbm>>
      tpu.enqueue_dma source(%dma_start3A_30 : memref<512xi32, #tpu.memory_space<hbm>>) target(%arg8 : memref<512xi32, #tpu.memory_space<vmem>>) target_semaphore(%run_scoped3A : memref<!tpu.dma_semaphore, #tpu.memory_space<semaphore_mem>>)
      %dma_wait3A_31 = tpu.memref_slice %arg3[%mul3A_2] : memref<16384xi32, #tpu.memory_space<hbm>> -> memref<512xi32, #tpu.memory_space<hbm>>
      %dma_wait3A_32 = tpu.memref_slice %arg3[%mul3A_2] : memref<16384xi32, #tpu.memory_space<hbm>> -> memref<512xi32, #tpu.memory_space<hbm>>
      tpu.wait_dma2 semaphore(%run_scoped3A : memref<!tpu.dma_semaphore, #tpu.memory_space<semaphore_mem>>) src(%dma_wait3A_32 : memref<512xi32, #tpu.memory_space<hbm>>) dst(%arg8 : memref<512xi32, #tpu.memory_space<vmem>>)
      tpu.yield
    }) : () -> ()
    %dma_wait3A = arith.constant 0 : i32
    %dma_wait3A_5 = arith.constant 0 : i32
    %dma_wait3A_6 = tpu.memref_slice %arg4[%dma_wait3A, %dma_wait3A_5] : memref<10000x64xf32, #tpu.memory_space<hbm>> -> memref<10000x64xf32, #tpu.memory_space<hbm>>
    tpu.wait_indirect_dma semaphore(%arg11 : memref<!tpu.dma_semaphore, #tpu.memory_space<semaphore_mem>>) src(%dma_wait3A_6 : memref<10000x64xf32, #tpu.memory_space<hbm>>) dst(%arg9 : memref<512x64xf32, #tpu.memory_space<vmem>>)
    %dma_start3A_7 = arith.constant 0 : i32
    %dma_start3A_8 = arith.constant 0 : i32
    %dma_start3A_9 = tpu.memref_slice %arg5[%dma_start3A_7, %dma_start3A_8] : memref<100352x64xf32, #tpu.memory_space<hbm>> -> memref<100352x64xf32, #tpu.memory_space<hbm>>
    tpu.enqueue_indirect_dma source(%dma_start3A_9 : memref<100352x64xf32, #tpu.memory_space<hbm>>) target(%arg10 : memref<512x64xf32, #tpu.memory_space<vmem>>) offsets(%arg8 : memref<512xi32, #tpu.memory_space<vmem>>) semaphore(%arg12 : memref<!tpu.dma_semaphore, #tpu.memory_space<semaphore_mem>>)
    %dma_start3A_10 = arith.constant 0 : i32
    %dma_start3A_11 = tpu.memref_slice %arg6[%mul3A_2, %dma_start3A_10] : memref<16384x128xf32, #tpu.memory_space<hbm>> -> memref<512x64xf32, #tpu.memory_space<hbm>>
    %dma_start3A_12 = arith.constant 0 : i32
    %dma_start3A_13 = tpu.memref_slice %arg6[%mul3A_2, %dma_start3A_12] : memref<16384x128xf32, #tpu.memory_space<hbm>> -> memref<512x64xf32, #tpu.memory_space<hbm>>
    tpu.enqueue_dma source(%arg9 : memref<512x64xf32, #tpu.memory_space<vmem>>) target(%dma_start3A_13 : memref<512x64xf32, #tpu.memory_space<hbm>>) target_semaphore(%arg13 : memref<!tpu.dma_semaphore, #tpu.memory_space<semaphore_mem>>)
    %dma_wait3A_14 = arith.constant 0 : i32
    %dma_wait3A_15 = arith.constant 0 : i32
    %dma_wait3A_16 = tpu.memref_slice %arg5[%dma_wait3A_14, %dma_wait3A_15] : memref<100352x64xf32, #tpu.memory_space<hbm>> -> memref<100352x64xf32, #tpu.memory_space<hbm>>
    tpu.wait_indirect_dma semaphore(%arg12 : memref<!tpu.dma_semaphore, #tpu.memory_space<semaphore_mem>>) src(%dma_wait3A_16 : memref<100352x64xf32, #tpu.memory_space<hbm>>) dst(%arg10 : memref<512x64xf32, #tpu.memory_space<vmem>>)
    %dma_wait3A_17 = arith.constant 0 : i32
    %dma_wait3A_18 = tpu.memref_slice %arg6[%mul3A_2, %dma_wait3A_17] : memref<16384x128xf32, #tpu.memory_space<hbm>> -> memref<512x64xf32, #tpu.memory_space<hbm>>
    %dma_wait3A_19 = arith.constant 0 : i32
    %dma_wait3A_20 = tpu.memref_slice %arg6[%mul3A_2, %dma_wait3A_19] : memref<16384x128xf32, #tpu.memory_space<hbm>> -> memref<512x64xf32, #tpu.memory_space<hbm>>
    tpu.wait_dma2 semaphore(%arg13 : memref<!tpu.dma_semaphore, #tpu.memory_space<semaphore_mem>>) src(%arg9 : memref<512x64xf32, #tpu.memory_space<vmem>>) dst(%dma_wait3A_20 : memref<512x64xf32, #tpu.memory_space<hbm>>)
    %dma_start3A_21 = arith.constant 64 : i32
    %dma_start3A_22 = tpu.memref_slice %arg6[%mul3A_2, %dma_start3A_21] : memref<16384x128xf32, #tpu.memory_space<hbm>> -> memref<512x64xf32, #tpu.memory_space<hbm>>
    %dma_start3A_23 = arith.constant 64 : i32
    %dma_start3A_24 = tpu.memref_slice %arg6[%mul3A_2, %dma_start3A_23] : memref<16384x128xf32, #tpu.memory_space<hbm>> -> memref<512x64xf32, #tpu.memory_space<hbm>>
    tpu.enqueue_dma source(%arg10 : memref<512x64xf32, #tpu.memory_space<vmem>>) target(%dma_start3A_24 : memref<512x64xf32, #tpu.memory_space<hbm>>) target_semaphore(%arg13 : memref<!tpu.dma_semaphore, #tpu.memory_space<semaphore_mem>>)
    %dma_wait3A_25 = arith.constant 64 : i32
    %dma_wait3A_26 = tpu.memref_slice %arg6[%mul3A_2, %dma_wait3A_25] : memref<16384x128xf32, #tpu.memory_space<hbm>> -> memref<512x64xf32, #tpu.memory_space<hbm>>
    %dma_wait3A_27 = arith.constant 64 : i32
    %dma_wait3A_28 = tpu.memref_slice %arg6[%mul3A_2, %dma_wait3A_27] : memref<16384x128xf32, #tpu.memory_space<hbm>> -> memref<512x64xf32, #tpu.memory_space<hbm>>
    tpu.wait_dma2 semaphore(%arg13 : memref<!tpu.dma_semaphore, #tpu.memory_space<semaphore_mem>>) src(%arg10 : memref<512x64xf32, #tpu.memory_space<vmem>>) dst(%dma_wait3A_28 : memref<512x64xf32, #tpu.memory_space<hbm>>)
    return
  }
}

module attributes {stable_mosaic.version = 14 : i64} {
  func.func @_prep3_body(%arg0: memref<64x1000xf32, #tpu.memory_space<vmem>>, %arg1: memref<64x1000xf32, #tpu.memory_space<vmem>>, %arg2: memref<64x1000xf32, #tpu.memory_space<vmem>>, %arg3: memref<500x128xf32, #tpu.memory_space<vmem>>, %arg4: memref<500x128xf32, #tpu.memory_space<vmem>>, %arg5: memref<500x128xf32, #tpu.memory_space<vmem>>) attributes {dimension_semantics = [], scalar_prefetch = 0 : i64, scratch_operands = 0 : i64, tpu.core_type = #tpu.core_type<tc>} {
    %get3A = arith.constant 0 : index
    %get3A_0 = arith.constant 0 : index
    %get3A_1 = vector.load %arg0[%get3A, %get3A_0] : memref<64x1000xf32, #tpu.memory_space<vmem>>, vector<64x1000xf32>
    %transpose3A = tpu.transpose %get3A_1, [1, 0] : vector<64x1000xf32> -> vector<1000x64xf32>
    %slice3A = vector.extract_strided_slice %transpose3A {offsets = [0, 0], sizes = [500, 64], strides = [1, 1]} : vector<1000x64xf32> to vector<500x64xf32>
    %slice3A_2 = vector.extract_strided_slice %transpose3A {offsets = [500, 0], sizes = [500, 64], strides = [1, 1]} : vector<1000x64xf32> to vector<500x64xf32>
    %concatenate3A = tpu.concatenate %slice3A, %slice3A_2 in 1 : vector<500x64xf32>, vector<500x64xf32> -> vector<500x128xf32>
    %swap3A = arith.constant 0 : index
    %swap3A_3 = arith.constant 0 : index
    %swap3A_4 = vector.load %arg3[%swap3A, %swap3A_3] : memref<500x128xf32, #tpu.memory_space<vmem>>, vector<500x128xf32>
    tpu.vector_store %arg3[%swap3A, %swap3A_3], %concatenate3A {strides = array<i32>} : memref<500x128xf32, #tpu.memory_space<vmem>>, vector<500x128xf32>,
    %get3A_5 = arith.constant 0 : index
    %get3A_6 = arith.constant 0 : index
    %get3A_7 = vector.load %arg1[%get3A_5, %get3A_6] : memref<64x1000xf32, #tpu.memory_space<vmem>>, vector<64x1000xf32>
    %transpose3A_8 = tpu.transpose %get3A_7, [1, 0] : vector<64x1000xf32> -> vector<1000x64xf32>
    %slice3A_9 = vector.extract_strided_slice %transpose3A_8 {offsets = [0, 0], sizes = [500, 64], strides = [1, 1]} : vector<1000x64xf32> to vector<500x64xf32>
    %slice3A_10 = vector.extract_strided_slice %transpose3A_8 {offsets = [500, 0], sizes = [500, 64], strides = [1, 1]} : vector<1000x64xf32> to vector<500x64xf32>
    %concatenate3A_11 = tpu.concatenate %slice3A_9, %slice3A_10 in 1 : vector<500x64xf32>, vector<500x64xf32> -> vector<500x128xf32>
    %swap3A_12 = arith.constant 0 : index
    %swap3A_13 = arith.constant 0 : index
    %swap3A_14 = vector.load %arg4[%swap3A_12, %swap3A_13] : memref<500x128xf32, #tpu.memory_space<vmem>>, vector<500x128xf32>
    tpu.vector_store %arg4[%swap3A_12, %swap3A_13], %concatenate3A_11 {strides = array<i32>} : memref<500x128xf32, #tpu.memory_space<vmem>>, vector<500x128xf32>,
    %get3A_15 = arith.constant 0 : index
    %get3A_16 = arith.constant 0 : index
    %get3A_17 = vector.load %arg2[%get3A_15, %get3A_16] : memref<64x1000xf32, #tpu.memory_space<vmem>>, vector<64x1000xf32>
    %transpose3A_18 = tpu.transpose %get3A_17, [1, 0] : vector<64x1000xf32> -> vector<1000x64xf32>
    %slice3A_19 = vector.extract_strided_slice %transpose3A_18 {offsets = [0, 0], sizes = [500, 64], strides = [1, 1]} : vector<1000x64xf32> to vector<500x64xf32>
    %slice3A_20 = vector.extract_strided_slice %transpose3A_18 {offsets = [500, 0], sizes = [500, 64], strides = [1, 1]} : vector<1000x64xf32> to vector<500x64xf32>
    %concatenate3A_21 = tpu.concatenate %slice3A_19, %slice3A_20 in 1 : vector<500x64xf32>, vector<500x64xf32> -> vector<500x128xf32>
    %swap3A_22 = arith.constant 0 : index
    %swap3A_23 = arith.constant 0 : index
    %swap3A_24 = vector.load %arg5[%swap3A_22, %swap3A_23] : memref<500x128xf32, #tpu.memory_space<vmem>>, vector<500x128xf32>
    tpu.vector_store %arg5[%swap3A_22, %swap3A_23], %concatenate3A_21 {strides = array<i32>} : memref<500x128xf32, #tpu.memory_space<vmem>>, vector<500x128xf32>,
    return
  }
}

module attributes {stable_mosaic.version = 14 : i64} {
  func.func @_prep_body(%arg0: i32, %arg1: memref<64x12544xf32, #tpu.memory_space<vmem>>, %arg2: memref<6272x128xf32, #tpu.memory_space<vmem>>) attributes {dimension_semantics = [#tpu.dimension_semantics<parallel>], iteration_bounds = array<i64: 8>, scalar_prefetch = 0 : i64, scratch_operands = 0 : i64, tpu.core_type = #tpu.core_type<tc>, window_params = [{transform_indices = @transform_0, window_bounds = array<i64: 64, 12544>}, {transform_indices = @transform_1, window_bounds = array<i64: 6272, 128>}]} {
    %get3A = arith.constant 0 : index
    %get3A_0 = arith.constant 0 : index
    %get3A_1 = vector.load %arg1[%get3A, %get3A_0] : memref<64x12544xf32, #tpu.memory_space<vmem>>, vector<64x12544xf32>
    %transpose3A = tpu.transpose %get3A_1, [1, 0] : vector<64x12544xf32> -> vector<12544x64xf32>
    %slice3A = vector.extract_strided_slice %transpose3A {offsets = [0, 0], sizes = [6272, 64], strides = [1, 1]} : vector<12544x64xf32> to vector<6272x64xf32>
    %slice3A_2 = vector.extract_strided_slice %transpose3A {offsets = [6272, 0], sizes = [6272, 64], strides = [1, 1]} : vector<12544x64xf32> to vector<6272x64xf32>
    %concatenate3A = tpu.concatenate %slice3A, %slice3A_2 in 1 : vector<6272x64xf32>, vector<6272x64xf32> -> vector<6272x128xf32>
    %swap3A = arith.constant 0 : index
    %swap3A_3 = arith.constant 0 : index
    %swap3A_4 = vector.load %arg2[%swap3A, %swap3A_3] : memref<6272x128xf32, #tpu.memory_space<vmem>>, vector<6272x128xf32>
    tpu.vector_store %arg2[%swap3A, %swap3A_3], %concatenate3A {strides = array<i32>} : memref<6272x128xf32, #tpu.memory_space<vmem>>, vector<6272x128xf32>,
    return
  }
  func.func @transform_0(%arg0: i32) -> (i32, i32) {
    %c0_i32 = arith.constant 0 : i32
    %c0_i32_0 = arith.constant 0 : i32
    return %c0_i32, %arg0 : i32, i32
  }
  func.func @transform_1(%arg0: i32) -> (i32, i32) {
    %c0_i32 = arith.constant 0 : i32
    %c0_i32_0 = arith.constant 0 : i32
    return %arg0, %c0_i32 : i32, i32
  }
}

module attributes {stable_mosaic.version = 14 : i64} {
  func.func @_prep_body(%arg0: i32, %arg1: memref<64x10000xf32, #tpu.memory_space<vmem>>, %arg2: memref<5000x128xf32, #tpu.memory_space<vmem>>) attributes {dimension_semantics = [#tpu.dimension_semantics<parallel>], iteration_bounds = array<i64: 1>, scalar_prefetch = 0 : i64, scratch_operands = 0 : i64, tpu.core_type = #tpu.core_type<tc>, window_params = [{transform_indices = @transform_0, window_bounds = array<i64: 64, 10000>}, {transform_indices = @transform_1, window_bounds = array<i64: 5000, 128>}]} {
    %get3A = arith.constant 0 : index
    %get3A_0 = arith.constant 0 : index
    %get3A_1 = vector.load %arg1[%get3A, %get3A_0] : memref<64x10000xf32, #tpu.memory_space<vmem>>, vector<64x10000xf32>
    %transpose3A = tpu.transpose %get3A_1, [1, 0] : vector<64x10000xf32> -> vector<10000x64xf32>
    %slice3A = vector.extract_strided_slice %transpose3A {offsets = [0, 0], sizes = [5000, 64], strides = [1, 1]} : vector<10000x64xf32> to vector<5000x64xf32>
    %slice3A_2 = vector.extract_strided_slice %transpose3A {offsets = [5000, 0], sizes = [5000, 64], strides = [1, 1]} : vector<10000x64xf32> to vector<5000x64xf32>
    %concatenate3A = tpu.concatenate %slice3A, %slice3A_2 in 1 : vector<5000x64xf32>, vector<5000x64xf32> -> vector<5000x128xf32>
    %swap3A = arith.constant 0 : index
    %swap3A_3 = arith.constant 0 : index
    %swap3A_4 = vector.load %arg2[%swap3A, %swap3A_3] : memref<5000x128xf32, #tpu.memory_space<vmem>>, vector<5000x128xf32>
    tpu.vector_store %arg2[%swap3A, %swap3A_3], %concatenate3A {strides = array<i32>} : memref<5000x128xf32, #tpu.memory_space<vmem>>, vector<5000x128xf32>,
    return
  }
  func.func @transform_0(%arg0: i32) -> (i32, i32) {
    %c0_i32 = arith.constant 0 : i32
    %c0_i32_0 = arith.constant 0 : i32
    return %c0_i32, %arg0 : i32, i32
  }
  func.func @transform_1(%arg0: i32) -> (i32, i32) {
    %c0_i32 = arith.constant 0 : i32
    %c0_i32_0 = arith.constant 0 : i32
    return %arg0, %c0_i32 : i32, i32
  }
}

module attributes {stable_mosaic.version = 14 : i64} {
  func.func @_assemble_body(%arg0: i32, %arg1: memref<4096x128xf32, #tpu.memory_space<vmem>>, %arg2: memref<4096x128xf32, #tpu.memory_space<vmem>>, %arg3: memref<4096x128xf32, #tpu.memory_space<vmem>>, %arg4: memref<64x4096xf32, #tpu.memory_space<vmem>>, %arg5: memref<64x32xf32, #tpu.memory_space<vmem>>, %arg6: memref<32x1xf32, #tpu.memory_space<vmem>>, %arg7: memref<32x64xf32, #tpu.memory_space<vmem>>, %arg8: memref<64x1xf32, #tpu.memory_space<vmem>>, %arg9: memref<448x4096xf32, #tpu.memory_space<vmem>>) attributes {dimension_semantics = [#tpu.dimension_semantics<parallel>], iteration_bounds = array<i64: 4>, scalar_prefetch = 0 : i64, scratch_operands = 0 : i64, tpu.core_type = #tpu.core_type<tc>, window_params = [{transform_indices = @transform_0, window_bounds = array<i64: 4096, 128>}, {transform_indices = @transform_1, window_bounds = array<i64: 4096, 128>}, {transform_indices = @transform_2, window_bounds = array<i64: 4096, 128>}, {transform_indices = @transform_3, window_bounds = array<i64: 64, 4096>}, {pipeline_mode = #tpu.pipeline_mode<synchronous>, transform_indices = @transform_4, window_bounds = array<i64: 64, 32>}, {pipeline_mode = #tpu.pipeline_mode<synchronous>, transform_indices = @transform_5, window_bounds = array<i64: 32, 1>}, {pipeline_mode = #tpu.pipeline_mode<synchronous>, transform_indices = @transform_6, window_bounds = array<i64: 32, 64>}, {pipeline_mode = #tpu.pipeline_mode<synchronous>, transform_indices = @transform_7, window_bounds = array<i64: 64, 1>}, {transform_indices = @transform_8, window_bounds = array<i64: 448, 4096>}]} {
    %get3A = arith.constant 0 : index
    %get3A_0 = arith.constant 0 : index
    %get3A_1 = vector.load %arg1[%get3A, %get3A_0] : memref<4096x128xf32, #tpu.memory_space<vmem>>, vector<4096x128xf32>
    %transpose3A = tpu.transpose %get3A_1, [1, 0] : vector<4096x128xf32> -> vector<128x4096xf32>
    %swap3A = arith.constant 0 : index
    %swap3A_2 = arith.constant 0 : index
    %swap3A_3 = vector.load %arg9[%swap3A, %swap3A_2] : memref<448x4096xf32, #tpu.memory_space<vmem>>, vector<128x4096xf32>
    tpu.vector_store %arg9[%swap3A, %swap3A_2], %transpose3A {strides = array<i32>} : memref<448x4096xf32, #tpu.memory_space<vmem>>, vector<128x4096xf32>,
    %get3A_4 = arith.constant 0 : index
    %get3A_5 = arith.constant 0 : index
    %get3A_6 = vector.load %arg2[%get3A_4, %get3A_5] : memref<4096x128xf32, #tpu.memory_space<vmem>>, vector<4096x128xf32>
    %transpose3A_7 = tpu.transpose %get3A_6, [1, 0] : vector<4096x128xf32> -> vector<128x4096xf32>
    %swap3A_8 = arith.constant 128 : index
    %swap3A_9 = arith.constant 0 : index
    %swap3A_10 = vector.load %arg9[%swap3A_8, %swap3A_9] : memref<448x4096xf32, #tpu.memory_space<vmem>>, vector<128x4096xf32>
    tpu.vector_store %arg9[%swap3A_8, %swap3A_9], %transpose3A_7 {strides = array<i32>} : memref<448x4096xf32, #tpu.memory_space<vmem>>, vector<128x4096xf32>,
    %get3A_11 = arith.constant 0 : index
    %get3A_12 = arith.constant 0 : index
    %get3A_13 = vector.load %arg3[%get3A_11, %get3A_12] : memref<4096x128xf32, #tpu.memory_space<vmem>>, vector<4096x128xf32>
    %transpose3A_14 = tpu.transpose %get3A_13, [1, 0] : vector<4096x128xf32> -> vector<128x4096xf32>
    %swap3A_15 = arith.constant 256 : index
    %swap3A_16 = arith.constant 0 : index
    %swap3A_17 = vector.load %arg9[%swap3A_15, %swap3A_16] : memref<448x4096xf32, #tpu.memory_space<vmem>>, vector<128x4096xf32>
    tpu.vector_store %arg9[%swap3A_15, %swap3A_16], %transpose3A_14 {strides = array<i32>} : memref<448x4096xf32, #tpu.memory_space<vmem>>, vector<128x4096xf32>,
    %get3A_18 = arith.constant 0 : index
    %get3A_19 = arith.constant 0 : index
    %get3A_20 = vector.load %arg5[%get3A_18, %get3A_19] : memref<64x32xf32, #tpu.memory_space<vmem>>, vector<64x32xf32>
    %transpose3A_21 = tpu.transpose %get3A_20, [1, 0] : vector<64x32xf32> -> vector<32x64xf32>
    %get3A_22 = arith.constant 0 : index
    %get3A_23 = arith.constant 0 : index
    %get3A_24 = vector.load %arg4[%get3A_22, %get3A_23] : memref<64x4096xf32, #tpu.memory_space<vmem>>, vector<64x4096xf32>
    %dot_general3A = arith.constant dense<0.000000e+00> : vector<32x4096xf32>
    %dot_general3A_25 = tpu.matmul %transpose3A_21, %get3A_24, %dot_general3A {dimension_numbers = #tpu.dot_dimension_numbers<[1], [0], [0], [1], [0, 0, 1, 1], [], []>, transpose_lhs_hint = false} : vector<32x64xf32>, vector<64x4096xf32>, vector<32x4096xf32> -> vector<32x4096xf32>
    %get3A_26 = arith.constant 0 : index
    %get3A_27 = arith.constant 0 : index
    %get3A_28 = vector.load %arg6[%get3A_26, %get3A_27] : memref<32x1xf32, #tpu.memory_space<vmem>>, vector<32x1xf32>
    %add3A = vector.broadcast %get3A_28 : vector<32x1xf32> to vector<32x4096xf32>
    %add3A_29 = arith.addf %dot_general3A_25, %add3A : vector<32x4096xf32>
    %max3A = arith.constant 0.000000e+00 : f32
    %max3A_30 = vector.broadcast %max3A : f32 to vector<32x4096xf32>
    %max3A_31 = arith.maximumf %add3A_29, %max3A_30 : vector<32x4096xf32>
    %get3A_32 = arith.constant 0 : index
    %get3A_33 = arith.constant 0 : index
    %get3A_34 = vector.load %arg7[%get3A_32, %get3A_33] : memref<32x64xf32, #tpu.memory_space<vmem>>, vector<32x64xf32>
    %transpose3A_35 = tpu.transpose %get3A_34, [1, 0] : vector<32x64xf32> -> vector<64x32xf32>
    %dot_general3A_36 = arith.constant dense<0.000000e+00> : vector<64x4096xf32>
    %dot_general3A_37 = tpu.matmul %transpose3A_35, %max3A_31, %dot_general3A_36 {dimension_numbers = #tpu.dot_dimension_numbers<[1], [0], [0], [1], [0, 0, 1, 1], [], []>, transpose_lhs_hint = false} : vector<64x32xf32>, vector<32x4096xf32>, vector<64x4096xf32> -> vector<64x4096xf32>
    %get3A_38 = arith.constant 0 : index
    %get3A_39 = arith.constant 0 : index
    %get3A_40 = vector.load %arg8[%get3A_38, %get3A_39] : memref<64x1xf32, #tpu.memory_space<vmem>>, vector<64x1xf32>
    %add3A_41 = vector.broadcast %get3A_40 : vector<64x1xf32> to vector<64x4096xf32>
    %add3A_42 = arith.addf %dot_general3A_37, %add3A_41 : vector<64x4096xf32>
    %swap3A_43 = arith.constant 384 : index
    %swap3A_44 = arith.constant 0 : index
    %swap3A_45 = vector.load %arg9[%swap3A_43, %swap3A_44] : memref<448x4096xf32, #tpu.memory_space<vmem>>, vector<64x4096xf32>
    tpu.vector_store %arg9[%swap3A_43, %swap3A_44], %add3A_42 {strides = array<i32>} : memref<448x4096xf32, #tpu.memory_space<vmem>>, vector<64x4096xf32>,
    return
  }
  func.func @transform_0(%arg0: i32) -> (i32, i32) {
    %c0_i32 = arith.constant 0 : i32
    %c0_i32_0 = arith.constant 0 : i32
    return %arg0, %c0_i32 : i32, i32
  }
  func.func @transform_1(%arg0: i32) -> (i32, i32) {
    %c0_i32 = arith.constant 0 : i32
    %c0_i32_0 = arith.constant 0 : i32
    return %arg0, %c0_i32 : i32, i32
  }
  func.func @transform_2(%arg0: i32) -> (i32, i32) {
    %c0_i32 = arith.constant 0 : i32
    %c0_i32_0 = arith.constant 0 : i32
    return %arg0, %c0_i32 : i32, i32
  }
  func.func @transform_3(%arg0: i32) -> (i32, i32) {
    %c0_i32 = arith.constant 0 : i32
    %c0_i32_0 = arith.constant 0 : i32
    return %c0_i32, %arg0 : i32, i32
  }
  func.func @transform_4(%arg0: i32) -> (i32, i32) {
    %c0_i32 = arith.constant 0 : i32
    %c0_i32_0 = arith.constant 0 : i32
    %c0_i32_1 = arith.constant 0 : i32
    return %c0_i32, %c0_i32_0 : i32, i32
  }
  func.func @transform_5(%arg0: i32) -> (i32, i32) {
    %c0_i32 = arith.constant 0 : i32
    %c0_i32_0 = arith.constant 0 : i32
    %c0_i32_1 = arith.constant 0 : i32
    return %c0_i32, %c0_i32_0 : i32, i32
  }
  func.func @transform_6(%arg0: i32) -> (i32, i32) {
    %c0_i32 = arith.constant 0 : i32
    %c0_i32_0 = arith.constant 0 : i32
    %c0_i32_1 = arith.constant 0 : i32
    return %c0_i32, %c0_i32_0 : i32, i32
  }
  func.func @transform_7(%arg0: i32) -> (i32, i32) {
    %c0_i32 = arith.constant 0 : i32
    %c0_i32_0 = arith.constant 0 : i32
    %c0_i32_1 = arith.constant 0 : i32
    return %c0_i32, %c0_i32_0 : i32, i32
  }
  func.func @transform_8(%arg0: i32) -> (i32, i32) {
    %c0_i32 = arith.constant 0 : i32
    %c0_i32_0 = arith.constant 0 : i32
    return %c0_i32, %arg0 : i32, i32
  }
}

</mosaic_0001>

<sc_bundles>
// kernel: kernel.12.cloned.1.call-start
scs
__scs_entry_jumppad:
0x0: {  	(pc) =	sbr.rel $0x88, $3  }
0x1: {  	(tag) =	ssettag $0x0;
	lr =	simm.s32 $0x1  }
0x2: {  	[smem:$0x3F90] =	sst lr;
	_ =	strace $0xD0000000  }
0x3: {  	_ = 	snop  }
0x4: {  	_ = 	snop  }
0x5: {  	_ = 	snop  }
0x6: {  	_ = 	snop  }
0x7: {  	_ = 	snop  }
__scs_overlays_trampoline_lowered:
0x8: {  	[smem:$0x3F9F] =	sst s0  }
0x9: {  	[smem:$0x3FA0] =	sst s1  }
0xa: {  	[smem:$0x3FA1] =	sst s2  }
0xb: {  	[smem:$0x3FA2] =	sst s3  }
0xc: {  	[smem:$0x3FA3] =	sst s4  }
0xd: {  	[smem:$0x3FA4] =	sst s5  }
0xe: {  	[smem:$0x3FA5] =	sst s6  }
0xf: {  	[smem:$0x3FA6] =	sst s7  }
0x10: {  	[smem:$0x3FA7] =	sst s8  }
0x11: {  	[smem:$0x3FA8] =	sst s9;
	s0 =	simm.s32 @!p0 $0x0  }
0x12: {  	s1 =	sld [smem:$0x3F8E];
	s0 =	simm.s32 @p0 $0x1  }
0x13: {  	[smem:$0x3FA9] =	sst s0;
	s0 =	simm.s32 @!p1 $0x0  }
0x14: {  	s2 =	sld [smem:$0x3F8D];
	s0 =	simm.s32 @p1 $0x1  }
0x15: {  	[smem:$0x3FAA] =	sst s0;
	s0 =	simm.s32 @!p2 $0x0  }
0x16: {  	s3 =	sld [smem:$0x3FDB];
	s0 =	simm.s32 @p2 $0x1  }
0x17: {  	s4 =	simm.s32 $0x1BF5;
	[smem:$0x3FAC] =	sst s0  }
0x18: {  	s0 =	sld [smem:$0x3F8F];
	_ =	swait.ge [sflag:s4], $0x0  }
0x19: {  	s7 =	sld [smem:$0x3F90]  }
0x1a: {  	s8 =	sadd.s32 $0xFFFFE003, lr  }
0x1b: {  	s9 =	sadd.s32 $0xFFFFFEF7, lr;
	s5 =	simm.s32 $0xFFFFFFFF;
	p2 =	slt.u32 s8, $0xFFFFF086  }
0x1c: {  	p1 =	slt.u32 s9, $0xF7A;
	s5 =	simm.s32 @!p2 $0x0  }
0x1d: {  	s5 =	simm.s32 @p1 $0x1;
	p0 =	seq.s32 s7, s2  }
0x1e: {  	s7 =	smul.u32 @!p0 $0xF7A, s2;
	p2 =	seq.s32 @!p0 s5, $0x0  }
0x1f: {  	s9 =	smul.u32 $0xF7A, s1;
	s8 =	simm.s32 @!p0 $0x1BF5;
	p2 =	por !p2, p0  }
0x20: {  	[sflag:s8] =	ssyncset.s32 @!p0 $0xFFFFF086;
	s6 =	sadd.s32 @!p0 s3, s7;
	s7 =	simm.s32 @!p0 $0x108  }
0x21: {  	s3 =	sadd.s32 s3, s9;
	s6 =	sadd.s32 @!p0 $0x88, s6;
	s7 =	simm.s32 @p2 $0x1082  }
0x22: {  	[simem:s7], [sflag:s8] =	dma.local @!p0 [hbm:s6], $0xF7A  }
0x23: {  	s9 =	sor.u32 $0xD0000000, s2;
	s6 =	simm.s32 $0x108;
	_ =	swait.ge @!p0 [sflag:s8], $0x0  }
0x24: {  	s3 =	sadd.s32 $0x88, s3;
	s6 =	simm.s32 @!p1 $0x1082;
	[sflag:s4] =	ssyncset.s32 $0xFFFFF086  }
0x25: {  	[simem:s6], [sflag:s4] =	dma.local [hbm:s3], $0xF7A  }
0x26: {  	[smem:$0x3F90] =	sst s1;
	(tag) =	ssettag s2;
	_ =	strace s9  }
0x27: {  	s1 =	sld [smem:$0x3FA0]  }
0x28: {  	s2 =	sld [smem:$0x3FA1]  }
0x29: {  	s4 =	sld [smem:$0x3FA3]  }
0x2a: {  	p0 =	seq.s32 s5, $0x0;
	s5 =	sld [smem:$0x3FA4]  }
0x2b: {  	s6 =	sld [smem:$0x3FA5]  }
0x2c: {  	s7 =	sld [smem:$0x3FA6]  }
0x2d: {  	s3 =	simm.s32 $0x108;
	s8 =	sld [smem:$0x3FA7]  }
0x2e: {  	s3 =	simm.s32 @!p0 $0x1082;
	s9 =	sld [smem:$0x3FA8]  }
0x2f: {  	lr =	sadd.s32 s0, s3;
	s0 =	sld [smem:$0x3F9F]  }
0x30: {  	s3 =	sld [smem:$0x3FA2]  }
0x31: {  	[smem:$0x3FAB] =	sst s10  }
0x32: {  	s10 =	sld [smem:$0x3FA9];
	_ =	sdelay $0x3  }
0x33: {  	p0 =	seq.s32 s10, $0x1;
	s10 =	sld [smem:$0x3FAB];
	_ =	sdelay $0x3  }
0x34: {  	[smem:$0x3FAB] =	sst s10  }
0x35: {  	s10 =	sld [smem:$0x3FAA];
	_ =	sdelay $0x3  }
0x36: {  	p1 =	seq.s32 s10, $0x1;
	s10 =	sld [smem:$0x3FAB];
	_ =	sdelay $0x3  }
0x37: {  	[smem:$0x3FAB] =	sst s10  }
0x38: {  	s10 =	sld [smem:$0x3FAC]  }
0x39: {  	_ = 	snop;
	(pc) =	sbr.ind lr, $3  }
0x3a: {  	_ = 	snop  }
0x3b: {  	_ = 	snop  }
0x3c: {  	p2 =	seq.s32 s10, $0x1;
	s10 =	sld [smem:$0x3FAB]  }
0x3d: {  	_ =	shalt  }
0x3e: {  	_ =	shalt  }
0x3f: {  	_ =	shalt  }
0x40: {  	_ =	shalt  }
0x41: {  	_ =	shalt  }
0x42: {  	_ =	shalt  }
0x43: {  	_ =	shalt  }
0x44: {  	_ =	shalt  }
0x45: {  	_ =	shalt  }
0x46: {  	_ =	shalt  }
0x47: {  	_ =	shalt  }
0x48: {  	_ =	shalt  }
0x49: {  	_ =	shalt  }
0x4a: {  	_ =	shalt  }
0x4b: {  	_ =	shalt  }
0x4c: {  	_ =	shalt  }
0x4d: {  	_ =	shalt  }
0x4e: {  	_ =	shalt  }
0x4f: {  	_ =	shalt  }
0x50: {  	_ =	shalt  }
0x51: {  	_ =	shalt  }
0x52: {  	_ =	shalt  }
0x53: {  	_ =	shalt  }
0x54: {  	_ =	shalt  }
0x55: {  	_ =	shalt  }
0x56: {  	_ =	shalt  }
0x57: {  	_ =	shalt  }
0x58: {  	_ =	shalt  }
0x59: {  	_ =	shalt  }
0x5a: {  	_ =	shalt  }
0x5b: {  	_ =	shalt  }
0x5c: {  	_ =	shalt  }
0x5d: {  	_ =	shalt  }
0x5e: {  	_ =	shalt  }
0x5f: {  	_ =	shalt  }
0x60: {  	_ =	shalt  }
0x61: {  	_ =	shalt  }
0x62: {  	_ =	shalt  }
0x63: {  	_ =	shalt  }
0x64: {  	_ =	shalt  }
0x65: {  	_ =	shalt  }
0x66: {  	_ =	shalt  }
0x67: {  	_ =	shalt  }
0x68: {  	_ =	shalt  }
0x69: {  	_ =	shalt  }
0x6a: {  	_ =	shalt  }
0x6b: {  	_ =	shalt  }
0x6c: {  	_ =	shalt  }
0x6d: {  	_ =	shalt  }
0x6e: {  	_ =	shalt  }
0x6f: {  	_ =	shalt  }
0x70: {  	_ =	shalt  }
0x71: {  	_ =	shalt  }
0x72: {  	_ =	shalt  }
0x73: {  	_ =	shalt  }
0x74: {  	_ =	shalt  }
0x75: {  	_ =	shalt  }
0x76: {  	_ =	shalt  }
0x77: {  	_ =	shalt  }
0x78: {  	_ =	shalt  }
0x79: {  	_ =	shalt  }
0x7a: {  	_ =	shalt  }
0x7b: {  	_ =	shalt  }
0x7c: {  	_ =	shalt  }
0x7d: {  	_ =	shalt  }
0x7e: {  	_ =	shalt  }
0x7f: {  	_ =	shalt  }
0x80: {  	_ =	shalt  }
0x81: {  	_ =	shalt  }
0x82: {  	_ =	shalt  }
0x83: {  	_ =	shalt  }
0x84: {  	_ =	shalt  }
0x85: {  	_ =	shalt  }
0x86: {  	_ =	shalt  }
0x87: {  	_ =	shalt  }
.Lfunc_end0:
.L_simem_size_0:
called_computation.1_lowered:
.L_overlay_start_0:
0x88: {  	s2 =	sld [smem:$0x3FD9]  }
0x89: {  	s3 =	sld [smem:$0x3FFE];
	_ =	sdelay $0x1  }
0x8a: {  	s1 =	srdreg.scid  }
0x8b: {  	s0 =	sand.u32 $0x1, s1  }
0x8c: {  	s17 =	sshll.u32 s0, $0xA;
	s2 =	sadd.s32 s3, s2  }
0x8d: {  	s2 =	sadd.s32 s2, s17  }
0x8e: {  	[smem:$0x3FB7] =	sst s2  }
0x8f: {  	_ = 	snop  }
0x90: {  	(tm) =	ssettm $0x1  }
0x91: {  	s18 =	sld [smem:$0x3FFB];
	_ =	sdelay $0x3  }
0x92: {  	_ =	strace s18  }
0x93: {  	s2 =	sld [smem:$0x3FFC];
	_ =	sdelay $0x3  }
0x94: {  	_ =	strace s2  }
0x95: {  	s2 =	sld [smem:$0x3FFD];
	_ =	sdelay $0x3  }
0x96: {  	_ =	strace s2  }
0x97: {  	_ =	strace $0x8FFFFFFF  }
0x98: {  	s19 =	sld [smem:$0x3FDB];
	_ =	sdelay $0x1  }
0x99: {  	s20 =	simm.s32 $_scs_section_size  }
0x9a: {  	s4 =	simm.s32 $_size__tile_overlayer_lowered;
	s5 =	simm.s32 $_tile_overlayer_lowered  }
0x9b: {  	s6 =	simm.s32 $0x1BFF;
	s21 =	sshll.u32 s5, $0x1;
	s3 =	sadd.s32 s20, s19  }
0x9c: {  	s22 =	simm.s32 $0x0;
	s4 =	sshll.u32 s4, $0x1;
	s5 =	sadd.s32 s21, s3  }
0x9d: {  	[timem:s22], [sflag:s6] =	dma.local [hbm:s5], s4  }
0x9e: {  	_ =	swait.ge [sflag:s6], s4  }
0x9f: {  	s4 =	ssub.s32 $0x0, s4;
	[sflag:s6] =	ssyncset.done $0x0  }
0xa0: {  	[sflag:s6] =	ssyncadd.s32 s4;
	_ =	sdelay $0x1  }
0xa1: {  	s23 =	simm.s32 $0x1B8B  }
0xa2: {  	_ =	swait.ge [sflag:s23], $0x1  }
0xa3: {  	[sflag:s23] =	ssyncset.done $0x0  }
0xa4: {  	[sflag:s23] =	ssyncadd.s32 $0xFFFFFFFF  }
0xa5: {  	s4 =	sld [smem:$0x0]  }
0xa6: {  	s5 =	sand.u32 $0xFFFFFFFE, s1  }
0xa7: {  	p0 =	sne.s32 s1, s5  }
0xa8: {  	s5 =	sshll.u32 @p0 s5, $0xE  }
0xa9: {  	s5 =	sadd.s32 @p0 $0x11B8D, s5;
	s6 =	sshll.u32 @p0 s4, $0x11  }
0xaa: {  	s5 =	sor.u32 @p0 s6, s5  }
0xab: {  	[sflag:s5] =	ssyncadd.remote.s32 @p0 $0x1;
	_ =	sdelay $0x1  }
0xac: {  	s5 =	simm.s32 @p0 $0x1B8D  }
0xad: {  	_ =	swait.eq @p0 [sflag:s5], $0x1  }
0xae: {  	[sflag:s5] =	ssyncadd.s32 @p0 $0xFFFFFFFF  }
0xaf: {  	s6 =	sshll.u32 @!p0 s1, $0xE  }
0xb0: {  	s6 =	sor.u32 @!p0 $0x4000, s6;
	s5 =	simm.s32 @!p0 $0x1B8D  }
0xb1: {  	s4 =	sshll.u32 @!p0 s4, $0x11;
	s6 =	sadd.s32 @!p0 $0x11B8D, s6;
	_ =	swait.eq @!p0 [sflag:s5], $0x1  }
0xb2: {  	s4 =	sor.u32 @!p0 s4, s6;
	[sflag:s5] =	ssyncadd.s32 @!p0 $0xFFFFFFFF  }
0xb3: {  	s25 =	simm.s32 $0x1B8E;
	s24 =	sld [smem:$0x3FFE];
	[sflag:s4] =	ssyncadd.remote.s32 @!p0 $0x1  }
0xb4: {  	s26 =	simm.s32 $execute0_lowered;
	[smem:$0x3FD2] =	sst s25  }
0xb5: {  	s5 =	sshll.u32 s26, $0x1;
	_ =	strace $0x80000049;
	[dreg:$0x1] =	wrdreg $0xFFFFFFFF  }
0xb6: {  	s28 =	simm.s32 $_size_execute0_lowered;
	s3 =	sadd.s32 s3, s5;
	[dreg:$0x0] =	wrdreg $0x0  }
0xb7: {  	s5 =	sshll.u32 s28, $0x1;
	[dreg:$0x2] =	wrdreg s3  }
0xb8: {  	[dreg:$0x3] =	wrdreg s5  }
0xb9: {  	[dreg:$0x4] =	wrdreg $0xC0  }
0xba: {  	_ =	task [dreg:s22], $0x5FFFF  }
0xbb: {  	[dreg:$0x1] =	wrdreg $0xFFFFFFFF  }
0xbc: {  	[dreg:$0x0] =	wrdreg $0x60  }
0xbd: {  	[dreg:$0x2] =	wrdreg s24  }
0xbe: {  	[dreg:$0x3] =	wrdreg $0xA  }
0xbf: {  	_ =	task.clear_ibuf [dreg:s22], $0x4FFFF;
	_ =	strace $0x90000049  }
0xc0: {  	s29 =	simm.s32 $0xA;
	_ =	strace $0x8000004B  }
0xc1: {  	_ =	swait.ge [sflag:s29], $0x1  }
0xc2: {  	[sflag:s29] =	ssyncadd.s32 $0xFFFFFFFF  }
0xc3: {  	_ =	strace $0x9000004B  }
0xc4: {  	_ =	sfence  }
0xc5: {  	s30 =	sld [smem:$0x0];
	_ =	sdelay $0x2  }
0xc6: {  	s31 =	sshll.u32 s1, $0xD;
	s1 =	sshrl.u32 s1, $0x2  }
0xc7: {  	s4 =	sand.u32 $0x4000, s31;
	s1 =	sadd.s32 s1, s30  }
0xc8: {  	s0 =	sor.u32 s4, s0;
	s1 =	sshll.u32 s1, $0x11  }
0xc9: {  	s0 =	sor.u32 s1, s0  }
0xca: {  	s0 =	sadd.s32 $0x8F2B, s0  }
0xcb: {  	[sflag:s0] =	ssyncadd.remote.s32 $0x1  }
0xcc: {  	_ =	sfence.sel $0xFFFF  }
0xcd: {  	[dreg:$0x0] =	wrdreg $0xFFFFFFFF;
	(pc) =	sbr.abs _section_cstart, $3  }
0xce: {  	[dreg:$0x1] =	wrdreg $0xFFFFFFFF  }
0xcf: {  	_ =	task.clear_ibuf [dreg:s22], $0x2FFFF;
	_ =	strace $0x9FFFFFFF  }
0xd0: {  	(tm) =	ssettm $0x7FFFFFFF  }
0xd1: {  	_ =	shalt  }
tec
execute0_lowered:
.L_overlay_start_1:
0x0: {  	(tag) =	ssettag $0x1  }
0x1: {  	s1 =	srdreg.scid  }
0x2: {  	s0 =	stileid.u32;
	s16 =	sand.u32 $0x1, s1  }
0x3: {  	s31 =	sshll.u32 s0, $0xA;
	s2 =	sshll.u32 s16, $0x9  }
0x4: {  	s10 =	sor.u32 s2, s31  }
0x5: {  	s11 =	rddreg [dreg:$0x0];
	s2 =	simm.s32 $0x0;
	s3 =	sshrl.u32 s10, $0x3  }
0x6: {  	s4 =	simm.s32 $0x4;
	[smem:$0x7FF] =	sst s2;
	s8 =	sadd.s32 s3, s11  }
0x7: {  	s1 =	rddreg [dreg:$0x1];
	_ =	strace $0x8000004A;
	s3 =	sadd.s32 $0x162A00, s8  }
0x8: {  	[tilespmem:s2], [sflag:$0x4] =	stream.linear.gather [hbm4b:s3+s2], $0x200, $0x38;
	[tilespmem:$0x10400] =	vst v63  }
0x9: {  	_ =	swait.ge [sflag:s4], $0x200  }
0xa: {  	s6 =	simm.s32 $0x200;
	[sflag:s4] =	ssyncset.done $0x0  }
0xb: {  	s7 =	simm.s32 $0x400;
	s5 =	sadd.s32 $0x8B000, s11;
	[sflag:s4] =	ssyncadd.s32 $0xFFFFFE00  }
0xc: {  	[tilespmem:s7], [sflag:$0x1] =	stream.indirect.gather [hbm4b:s5+s6], $0x40, s2, s6, $0xb8;
	[tilespmem:$0x10400] =	vst v63  }
0xd: {  	s8 =	sadd.s32 $0x163200, s8  }
0xe: {  	[tilespmem:s6], [sflag:$0x4] =	stream.linear.gather [hbm4b:s8+s2], $0x200, $0x38;
	[tilespmem:$0x10400] =	vst v63  }
0xf: {  	_ =	swait.ge [sflag:s4], $0x200  }
0x10: {  	[sflag:s4] =	ssyncset.done $0x0  }
0x11: {  	s9 =	simm.s32 $0x1;
	[sflag:s4] =	ssyncadd.s32 $0xFFFFFE00  }
0x12: {  	s13 =	simm.s32 $0x40;
	s14 =	simm.s32 $0x80;
	_ =	swait.ge [sflag:s9], $0x8000  }
0x13: {  	s12 =	sshll.u32 s10, $0x4;
	s10 =	sadd.s32 $0x9EA00, s11;
	[sflag:s9] =	ssyncset.done $0x0  }
0x14: {  	s17 =	sadd.s32 s12, s11;
	s12 =	simm.s32 $0x8400;
	[sflag:s9] =	ssyncadd.s32 $0xFFFF8000  }
0x15: {  	[tilespmem:s12], [sflag:$0x2] =	stream.indirect.gather [hbm4b:s10+s6], $0x40, s6, s6, $0xb8;
	[tilespmem:$0x10400] =	vst v63  }
0x16: {  	s15 =	simm.s32 $0x2;
	s18 =	ssub.s32 $0x2, s16;
	s11 =	sadd.s32 $0x163A00, s17  }
0x17: {  	[hbm4b:s11+s13] =	stream.strided.scatter [tilespmem:s7], [sflag:$0x3], $0x8000, s14, s13, $0x38;
	[tilespmem:$0x10400] =	vst v63  }
0x18: {  	s19 =	sshrl.u32 s18, $0x1;
	_ =	swait.ge [sflag:s15], $0x8000  }
0x19: {  	s18 =	ssub.s32 s18, s19;
	[sflag:s15] =	ssyncset.done $0x0  }
0x1a: {  	s16 =	simm.s32 $0x3;
	s18 =	smax.u32 s18, $0x1;
	[sflag:s15] =	ssyncadd.s32 $0xFFFF8000  }
0x1b: {  	p0 =	sne.s32 s18, $0x1;
	_ =	swait.ge [sflag:s16], $0x8000  }
.Ltmp0:
0x1c: {  	[sflag:s16] =	ssyncset.done $0x0;
	(pc) =	sbr.rel @!p0 .LBB2_2-.Ltmp0, $4  }
0x1d: {  	s17 =	sadd.s32 $0x163A08, s17;
	[sflag:s16] =	ssyncadd.s32 $0xFFFF8000  }
0x1e: {  	[hbm4b:s17+s13] =	stream.strided.scatter [tilespmem:s12], [sflag:$0x3], $0x8000, s14, s13, $0x38;
	[tilespmem:$0x10400] =	vst v63  }
0x1f: {  	_ =	swait.ge [sflag:s16], $0x8000  }
0x20: {  	s18 =	sadd.s32 $0xFFFFFFFF, s18;
	[sflag:s16] =	ssyncset.done $0x0  }
.LBB2_1:
0x21: {  	p0 =	sne.s32 s18, $0x1;
	s18 =	sadd.s32 $0xFFFFFFFF, s18;
	[sflag:s16] =	ssyncadd.s32 $0xFFFF8000  }
0x22: {  	[tilespmem:s2], [sflag:$0x4] =	stream.linear.gather [hbm4b:s3+s2], $0x200, $0x38;
	[tilespmem:$0x10400] =	vst v63  }
0x23: {  	_ =	swait.ge [sflag:s4], $0x200  }
0x24: {  	[sflag:s4] =	ssyncset.done $0x0  }
0x25: {  	[sflag:s4] =	ssyncadd.s32 $0xFFFFFE00  }
0x26: {  	[tilespmem:s7], [sflag:$0x1] =	stream.indirect.gather [hbm4b:s5+s6], $0x40, s2, s6, $0xb8;
	[tilespmem:$0x10400] =	vst v63  }
0x27: {  	_ = 	snop  }
0x28: {  	[tilespmem:s6], [sflag:$0x4] =	stream.linear.gather [hbm4b:s8+s2], $0x200, $0x38;
	[tilespmem:$0x10400] =	vst v63  }
0x29: {  	_ =	swait.ge [sflag:s4], $0x200  }
0x2a: {  	[sflag:s4] =	ssyncset.done $0x0  }
0x2b: {  	[sflag:s4] =	ssyncadd.s32 $0xFFFFFE00  }
0x2c: {  	_ =	swait.ge [sflag:s9], $0x8000  }
0x2d: {  	[sflag:s9] =	ssyncset.done $0x0  }
0x2e: {  	[sflag:s9] =	ssyncadd.s32 $0xFFFF8000  }
0x2f: {  	[tilespmem:s12], [sflag:$0x2] =	stream.indirect.gather [hbm4b:s10+s6], $0x40, s6, s6, $0xb8;
	[tilespmem:$0x10400] =	vst v63  }
0x30: {  	_ = 	snop  }
0x31: {  	[hbm4b:s11+s13] =	stream.strided.scatter [tilespmem:s7], [sflag:$0x3], $0x8000, s14, s13, $0x38;
	[tilespmem:$0x10400] =	vst v63  }
0x32: {  	_ =	swait.ge [sflag:s15], $0x8000  }
0x33: {  	[sflag:s15] =	ssyncset.done $0x0  }
0x34: {  	[sflag:s15] =	ssyncadd.s32 $0xFFFF8000  }
0x35: {  	_ =	swait.ge [sflag:s16], $0x8000  }
.Ltmp1:
0x36: {  	[sflag:s16] =	ssyncset.done $0x0;
	(pc) =	sbr.rel @p0 .LBB2_1-.Ltmp1, $4  }
0x37: {  	[sflag:s16] =	ssyncadd.s32 $0xFFFF8000  }
0x38: {  	[hbm4b:s17+s13] =	stream.strided.scatter [tilespmem:s12], [sflag:$0x3], $0x8000, s14, s13, $0x38;
	[tilespmem:$0x10400] =	vst v63  }
0x39: {  	_ =	swait.ge [sflag:s16], $0x8000  }
0x3a: {  	[sflag:s16] =	ssyncset.done $0x0  }
.LBB2_2:
0x3b: {  	[sflag:s16] =	ssyncadd.s32 $0xFFFF8000  }
0x3c: {  	_ =	sfence.sel $0x180000  }
0x3d: {  	[bflag:$0x0] =	sbarrier.arrive $0xFFFF  }
0x3e: {  	p0 =	sne.s32 s0, $0x0;
	_ =	strace $0x9000004A  }
0x3f: {  	s0 =	sadd.s32 @!p0 $0x100000, s1;
	[bflag:$0x2] =	sbarrier.arrive $0xFFFF  }
0x40: {  	[sflag:s0] =	ssyncadd.tile.s32 @!p0 $0x1;
	_ =	shalt  }
.Lfunc_end2:
_tile_overlayer_lowered:
.L_overlay_start_2:
0x41: {  	(tag) =	ssettag $0x2  }
0x42: {  	s0 =	rddreg [dreg:$0x0];
	s2 =	stileid.u32  }
0x43: {  	s1 =	rddreg [dreg:$0x1];
	p0 =	sne.s32 s2, $0x0  }
0x44: {  	s3 =	rddreg [dreg:$0x2];
	[bflag:$0x3] =	sbarrier.arrive $0xFFFF;
	s2 =	simm.s32 @!p0 $0x1C04  }
0x45: {  	[timem:s3], [sflag:s2] =	dma.local @!p0 [hbm:s0], s1  }
0x46: {  	s0 =	simm.s32 @!p0 $0x4  }
0x47: {  	_ =	swait.ge @!p0 [sflag:s0], s1  }
0x48: {  	s1 =	ssub.s32 @!p0 $0x0, s1;
	[sflag:s0] =	ssyncset.done @!p0 $0x0  }
0x49: {  	[sflag:s0] =	ssyncadd.s32 @!p0 s1  }
0x4a: {  	[bflag:$0x3] =	sbarrier.arrive $0xFFFF  }
0x4b: {  	_ =	shalt  }

// kernel: kernel.9.cloned.1.call-start
scs
__scs_entry_jumppad:
0x0: {  	(pc) =	sbr.rel $0x88, $3  }
0x1: {  	(tag) =	ssettag $0x0;
	lr =	simm.s32 $0x1  }
0x2: {  	[smem:$0x3F90] =	sst lr;
	_ =	strace $0xD0000000  }
0x3: {  	_ = 	snop  }
0x4: {  	_ = 	snop  }
0x5: {  	_ = 	snop  }
0x6: {  	_ = 	snop  }
0x7: {  	_ = 	snop  }
__scs_overlays_trampoline_lowered:
0x8: {  	[smem:$0x3F9F] =	sst s0  }
0x9: {  	[smem:$0x3FA0] =	sst s1  }
0xa: {  	[smem:$0x3FA1] =	sst s2  }
0xb: {  	[smem:$0x3FA2] =	sst s3  }
0xc: {  	[smem:$0x3FA3] =	sst s4  }
0xd: {  	[smem:$0x3FA4] =	sst s5  }
0xe: {  	[smem:$0x3FA5] =	sst s6  }
0xf: {  	[smem:$0x3FA6] =	sst s7  }
0x10: {  	[smem:$0x3FA7] =	sst s8  }
0x11: {  	[smem:$0x3FA8] =	sst s9;
	s0 =	simm.s32 @!p0 $0x0  }
0x12: {  	s1 =	sld [smem:$0x3F8E];
	s0 =	simm.s32 @p0 $0x1  }
0x13: {  	[smem:$0x3FA9] =	sst s0;
	s0 =	simm.s32 @!p1 $0x0  }
0x14: {  	s2 =	sld [smem:$0x3F8D];
	s0 =	simm.s32 @p1 $0x1  }
0x15: {  	[smem:$0x3FAA] =	sst s0;
	s0 =	simm.s32 @!p2 $0x0  }
0x16: {  	s3 =	sld [smem:$0x3FDB];
	s0 =	simm.s32 @p2 $0x1  }
0x17: {  	s4 =	simm.s32 $0x1BF5;
	[smem:$0x3FAC] =	sst s0  }
0x18: {  	s0 =	sld [smem:$0x3F8F];
	_ =	swait.ge [sflag:s4], $0x0  }
0x19: {  	s7 =	sld [smem:$0x3F90]  }
0x1a: {  	s8 =	sadd.s32 $0xFFFFE003, lr  }
0x1b: {  	s9 =	sadd.s32 $0xFFFFFEF7, lr;
	s5 =	simm.s32 $0xFFFFFFFF;
	p2 =	slt.u32 s8, $0xFFFFF086  }
0x1c: {  	p1 =	slt.u32 s9, $0xF7A;
	s5 =	simm.s32 @!p2 $0x0  }
0x1d: {  	s5 =	simm.s32 @p1 $0x1;
	p0 =	seq.s32 s7, s2  }
0x1e: {  	s7 =	smul.u32 @!p0 $0xF7A, s2;
	p2 =	seq.s32 @!p0 s5, $0x0  }
0x1f: {  	s9 =	smul.u32 $0xF7A, s1;
	s8 =	simm.s32 @!p0 $0x1BF5;
	p2 =	por !p2, p0  }
0x20: {  	[sflag:s8] =	ssyncset.s32 @!p0 $0xFFFFF086;
	s6 =	sadd.s32 @!p0 s3, s7;
	s7 =	simm.s32 @!p0 $0x108  }
0x21: {  	s3 =	sadd.s32 s3, s9;
	s6 =	sadd.s32 @!p0 $0x88, s6;
	s7 =	simm.s32 @p2 $0x1082  }
0x22: {  	[simem:s7], [sflag:s8] =	dma.local @!p0 [hbm:s6], $0xF7A  }
0x23: {  	s9 =	sor.u32 $0xD0000000, s2;
	s6 =	simm.s32 $0x108;
	_ =	swait.ge @!p0 [sflag:s8], $0x0  }
0x24: {  	s3 =	sadd.s32 $0x88, s3;
	s6 =	simm.s32 @!p1 $0x1082;
	[sflag:s4] =	ssyncset.s32 $0xFFFFF086  }
0x25: {  	[simem:s6], [sflag:s4] =	dma.local [hbm:s3], $0xF7A  }
0x26: {  	[smem:$0x3F90] =	sst s1;
	(tag) =	ssettag s2;
	_ =	strace s9  }
0x27: {  	s1 =	sld [smem:$0x3FA0]  }
0x28: {  	s2 =	sld [smem:$0x3FA1]  }
0x29: {  	s4 =	sld [smem:$0x3FA3]  }
0x2a: {  	p0 =	seq.s32 s5, $0x0;
	s5 =	sld [smem:$0x3FA4]  }
0x2b: {  	s6 =	sld [smem:$0x3FA5]  }
0x2c: {  	s7 =	sld [smem:$0x3FA6]  }
0x2d: {  	s3 =	simm.s32 $0x108;
	s8 =	sld [smem:$0x3FA7]  }
0x2e: {  	s3 =	simm.s32 @!p0 $0x1082;
	s9 =	sld [smem:$0x3FA8]  }
0x2f: {  	lr =	sadd.s32 s0, s3;
	s0 =	sld [smem:$0x3F9F]  }
0x30: {  	s3 =	sld [smem:$0x3FA2]  }
0x31: {  	[smem:$0x3FAB] =	sst s10  }
0x32: {  	s10 =	sld [smem:$0x3FA9];
	_ =	sdelay $0x3  }
0x33: {  	p0 =	seq.s32 s10, $0x1;
	s10 =	sld [smem:$0x3FAB];
	_ =	sdelay $0x3  }
0x34: {  	[smem:$0x3FAB] =	sst s10  }
0x35: {  	s10 =	sld [smem:$0x3FAA];
	_ =	sdelay $0x3  }
0x36: {  	p1 =	seq.s32 s10, $0x1;
	s10 =	sld [smem:$0x3FAB];
	_ =	sdelay $0x3  }
0x37: {  	[smem:$0x3FAB] =	sst s10  }
0x38: {  	s10 =	sld [smem:$0x3FAC]  }
0x39: {  	_ = 	snop;
	(pc) =	sbr.ind lr, $3  }
0x3a: {  	_ = 	snop  }
0x3b: {  	_ = 	snop  }
0x3c: {  	p2 =	seq.s32 s10, $0x1;
	s10 =	sld [smem:$0x3FAB]  }
0x3d: {  	_ =	shalt  }
0x3e: {  	_ =	shalt  }
0x3f: {  	_ =	shalt  }
0x40: {  	_ =	shalt  }
0x41: {  	_ =	shalt  }
0x42: {  	_ =	shalt  }
0x43: {  	_ =	shalt  }
0x44: {  	_ =	shalt  }
0x45: {  	_ =	shalt  }
0x46: {  	_ =	shalt  }
0x47: {  	_ =	shalt  }
0x48: {  	_ =	shalt  }
0x49: {  	_ =	shalt  }
0x4a: {  	_ =	shalt  }
0x4b: {  	_ =	shalt  }
0x4c: {  	_ =	shalt  }
0x4d: {  	_ =	shalt  }
0x4e: {  	_ =	shalt  }
0x4f: {  	_ =	shalt  }
0x50: {  	_ =	shalt  }
0x51: {  	_ =	shalt  }
0x52: {  	_ =	shalt  }
0x53: {  	_ =	shalt  }
0x54: {  	_ =	shalt  }
0x55: {  	_ =	shalt  }
0x56: {  	_ =	shalt  }
0x57: {  	_ =	shalt  }
0x58: {  	_ =	shalt  }
0x59: {  	_ =	shalt  }
0x5a: {  	_ =	shalt  }
0x5b: {  	_ =	shalt  }
0x5c: {  	_ =	shalt  }
0x5d: {  	_ =	shalt  }
0x5e: {  	_ =	shalt  }
0x5f: {  	_ =	shalt  }
0x60: {  	_ =	shalt  }
0x61: {  	_ =	shalt  }
0x62: {  	_ =	shalt  }
0x63: {  	_ =	shalt  }
0x64: {  	_ =	shalt  }
0x65: {  	_ =	shalt  }
0x66: {  	_ =	shalt  }
0x67: {  	_ =	shalt  }
0x68: {  	_ =	shalt  }
0x69: {  	_ =	shalt  }
0x6a: {  	_ =	shalt  }
0x6b: {  	_ =	shalt  }
0x6c: {  	_ =	shalt  }
0x6d: {  	_ =	shalt  }
0x6e: {  	_ =	shalt  }
0x6f: {  	_ =	shalt  }
0x70: {  	_ =	shalt  }
0x71: {  	_ =	shalt  }
0x72: {  	_ =	shalt  }
0x73: {  	_ =	shalt  }
0x74: {  	_ =	shalt  }
0x75: {  	_ =	shalt  }
0x76: {  	_ =	shalt  }
0x77: {  	_ =	shalt  }
0x78: {  	_ =	shalt  }
0x79: {  	_ =	shalt  }
0x7a: {  	_ =	shalt  }
0x7b: {  	_ =	shalt  }
0x7c: {  	_ =	shalt  }
0x7d: {  	_ =	shalt  }
0x7e: {  	_ =	shalt  }
0x7f: {  	_ =	shalt  }
0x80: {  	_ =	shalt  }
0x81: {  	_ =	shalt  }
0x82: {  	_ =	shalt  }
0x83: {  	_ =	shalt  }
0x84: {  	_ =	shalt  }
0x85: {  	_ =	shalt  }
0x86: {  	_ =	shalt  }
0x87: {  	_ =	shalt  }
.Lfunc_end0:
.L_simem_size_0:
called_computation_lowered:
.L_overlay_start_0:
0x88: {  	s2 =	sld [smem:$0x3FD9]  }
0x89: {  	s3 =	sld [smem:$0x3FFE];
	_ =	sdelay $0x1  }
0x8a: {  	s1 =	srdreg.scid  }
0x8b: {  	s0 =	sand.u32 $0x1, s1  }
0x8c: {  	s17 =	sshll.u32 s0, $0xA;
	s2 =	sadd.s32 s3, s2  }
0x8d: {  	s2 =	sadd.s32 s2, s17  }
0x8e: {  	[smem:$0x3FB7] =	sst s2  }
0x8f: {  	_ = 	snop  }
0x90: {  	s2 =	sld [smem:$0x3FD0];
	(tm) =	ssettm $0x1  }
0x91: {  	s18 =	sld [smem:$0x3FFB];
	_ =	sdelay $0x3  }
0x92: {  	_ =	strace s18  }
0x93: {  	s3 =	sld [smem:$0x3FFC];
	_ =	sdelay $0x3  }
0x94: {  	_ =	strace s3  }
0x95: {  	s3 =	sld [smem:$0x3FFD];
	_ =	sdelay $0x3  }
0x96: {  	_ =	strace s3  }
0x97: {  	_ =	strace $0x8FFFFFFF  }
0x98: {  	s19 =	sld [smem:$0x3FDB];
	_ =	sdelay $0x1  }
0x99: {  	s4 =	simm.s32 $_scs_section_size  }
0x9a: {  	s5 =	simm.s32 $_size__tile_overlayer_lowered;
	s6 =	simm.s32 $_tile_overlayer_lowered  }
0x9b: {  	s22 =	simm.s32 $0x1BFF;
	s21 =	sshll.u32 s6, $0x1;
	s3 =	sadd.s32 s4, s19  }
0x9c: {  	s7 =	simm.s32 $0x0;
	s20 =	sshll.u32 s5, $0x1;
	s5 =	sadd.s32 s21, s3  }
0x9d: {  	[timem:s7], [sflag:s22] =	dma.local [hbm:s5], s20  }
0x9e: {  	_ =	swait.ge [sflag:s22], s20  }
0x9f: {  	s4 =	ssub.s32 $0x0, s20;
	[sflag:s22] =	ssyncset.done $0x0  }
0xa0: {  	[sflag:s22] =	ssyncadd.s32 s4;
	_ =	sdelay $0x1  }
0xa1: {  	s23 =	simm.s32 $0x1B8B  }
0xa2: {  	_ =	swait.ge [sflag:s23], $0x1  }
0xa3: {  	[sflag:s23] =	ssyncset.done $0x0  }
0xa4: {  	s25 =	simm.s32 $0x1B8E;
	s24 =	sld [smem:$0x3FFE];
	[sflag:s23] =	ssyncadd.s32 $0xFFFFFFFF  }
0xa5: {  	s26 =	simm.s32 $execute0_lowered;
	[smem:$0x3FD2] =	sst s25  }
0xa6: {  	s5 =	sshll.u32 s26, $0x1;
	_ =	strace $0x80000046;
	[dreg:$0x1] =	wrdreg $0xFFFFFFFF  }
0xa7: {  	s28 =	simm.s32 $_size_execute0_lowered;
	s3 =	sadd.s32 s3, s5;
	[dreg:$0x0] =	wrdreg $0x0  }
0xa8: {  	s5 =	sshll.u32 s28, $0x1;
	[dreg:$0x2] =	wrdreg s3  }
0xa9: {  	[dreg:$0x3] =	wrdreg s5  }
0xaa: {  	[dreg:$0x4] =	wrdreg $0xC0  }
0xab: {  	_ =	task [dreg:s7], $0x5FFFF  }
0xac: {  	[dreg:$0x1] =	wrdreg $0xFFFFFFFF  }
0xad: {  	[dreg:$0x0] =	wrdreg $0x60  }
0xae: {  	[dreg:$0x2] =	wrdreg s24  }
0xaf: {  	[dreg:$0x3] =	wrdreg s2  }
0xb0: {  	[dreg:$0x4] =	wrdreg $0x9  }
0xb1: {  	_ =	task.clear_ibuf [dreg:s7], $0x5FFFF;
	_ =	strace $0x90000046  }
0xb2: {  	s29 =	simm.s32 $0x9;
	_ =	strace $0x80000048  }
0xb3: {  	_ =	swait.ge [sflag:s29], $0x1  }
0xb4: {  	[sflag:s29] =	ssyncadd.s32 $0xFFFFFFFF  }
0xb5: {  	_ =	strace $0x90000048  }
0xb6: {  	_ =	sfence  }
0xb7: {  	s30 =	sld [smem:$0x0];
	_ =	sdelay $0x2  }
0xb8: {  	s31 =	sshll.u32 s1, $0xD;
	s1 =	sshrl.u32 s1, $0x2  }
0xb9: {  	s3 =	sand.u32 $0x4000, s31;
	s1 =	sadd.s32 s1, s30  }
0xba: {  	s0 =	sor.u32 s3, s0;
	s1 =	sshll.u32 s1, $0x11  }
0xbb: {  	s0 =	sor.u32 s1, s0  }
0xbc: {  	s0 =	sadd.s32 $0x8F2B, s0  }
0xbd: {  	[sflag:s0] =	ssyncadd.remote.s32 $0x1  }
0xbe: {  	_ =	sfence.sel $0xFFFF  }
0xbf: {  	[dreg:$0x0] =	wrdreg $0xFFFFFFFF;
	(pc) =	sbr.abs _section_cstart, $3  }
0xc0: {  	[dreg:$0x1] =	wrdreg $0xFFFFFFFF  }
0xc1: {  	_ =	task.clear_ibuf [dreg:s7], $0x2FFFF;
	_ =	strace $0x9FFFFFFF  }
0xc2: {  	(tm) =	ssettm $0x7FFFFFFF  }
0xc3: {  	_ =	shalt  }
tec
execute0_lowered:
.L_overlay_start_1:
0x0: {  	(tag) =	ssettag $0x1  }
0x1: {  	s1 =	srdreg.scid  }
0x2: {  	s0 =	stileid.u32;
	s23 =	sand.u32 $0x1, s1  }
0x3: {  	s30 =	sshll.u32 s0, $0xA;
	s3 =	sshll.u32 s23, $0x9  }
0x4: {  	s22 =	rddreg [dreg:$0x0];
	s12 =	sor.u32 s3, s30  }
0x5: {  	s2 =	rddreg [dreg:$0x1];
	s3 =	simm.s32 $0x0;
	s4 =	sshrl.u32 s12, $0x3  }
0x6: {  	s5 =	simm.s32 $0x4;
	[smem:$0x7FF] =	sst s3;
	s21 =	sadd.s32 s4, s22  }
0x7: {  	s1 =	rddreg [dreg:$0x2];
	_ =	strace $0x80000047;
	s4 =	sadd.s32 $0x3000, s21  }
0x8: {  	[tilespmem:s3], [sflag:$0x4] =	stream.linear.gather [hbm4b:s4+s3], $0x200, $0x38;
	[tilespmem:$0x10400] =	vst v63  }
0x9: {  	_ =	swait.ge [sflag:s5], $0x200  }
0xa: {  	s7 =	simm.s32 $0x200;
	[sflag:s5] =	ssyncset.done $0x0  }
0xb: {  	s8 =	simm.s32 $0x400;
	s6 =	sadd.s32 $0x5000, s22;
	[sflag:s5] =	ssyncadd.s32 $0xFFFFFE00  }
0xc: {  	[tilespmem:s8], [sflag:$0x1] =	stream.indirect.gather [hbm4b:s6+s7], $0x40, s3, s7, $0xb8;
	[tilespmem:$0x10400] =	vst v63  }
0xd: {  	s9 =	sadd.s32 $0x3800, s21  }
0xe: {  	[tilespmem:s7], [sflag:$0x4] =	stream.linear.gather [hbm4b:s9+s3], $0x200, $0x38;
	[tilespmem:$0x10400] =	vst v63  }
0xf: {  	_ =	swait.ge [sflag:s5], $0x200  }
0x10: {  	[sflag:s5] =	ssyncset.done $0x0  }
0x11: {  	s10 =	simm.s32 $0x1;
	[sflag:s5] =	ssyncadd.s32 $0xFFFFFE00  }
0x12: {  	_ =	swait.ge [sflag:s10], $0x8000  }
0x13: {  	s11 =	sadd.s32 $0x7000, s22;
	s20 =	sadd.s32 $0xB000, s22;
	[sflag:s10] =	ssyncset.done $0x0  }
0x14: {  	s24 =	sshll.u32 s12, $0x4;
	s12 =	simm.s32 $0x8400;
	[sflag:s10] =	ssyncadd.s32 $0xFFFF8000  }
0x15: {  	[tilespmem:s12], [sflag:$0x2] =	stream.indirect.gather [hbm4b:s11+s7], $0x40, s7, s7, $0xb8;
	[tilespmem:$0x10400] =	vst v63  }
0x16: {  	s14 =	simm.s32 $0x40;
	s15 =	simm.s32 $0x80;
	s13 =	sadd.s32 s20, s24  }
0x17: {  	[hbm4b:s13+s14] =	stream.strided.scatter [tilespmem:s8], [sflag:$0x3], $0x8000, s15, s14, $0x38;
	[tilespmem:$0x10400] =	vst v63  }
0x18: {  	s16 =	sadd.s32 $0x4000, s21  }
0x19: {  	[tilespmem:s3], [sflag:$0x4] =	stream.linear.gather [hbm4b:s16+s3], $0x200, $0x38;
	[tilespmem:$0x10400] =	vst v63  }
0x1a: {  	_ =	swait.ge [sflag:s5], $0x200  }
0x1b: {  	[sflag:s5] =	ssyncset.done $0x0  }
0x1c: {  	s17 =	simm.s32 $0x2;
	[sflag:s5] =	ssyncadd.s32 $0xFFFFFE00  }
0x1d: {  	_ =	swait.ge [sflag:s17], $0x8000  }
0x1e: {  	[sflag:s17] =	ssyncset.done $0x0  }
0x1f: {  	s18 =	simm.s32 $0x3;
	[sflag:s17] =	ssyncadd.s32 $0xFFFF8000  }
0x20: {  	_ =	swait.ge [sflag:s18], $0x8000  }
0x21: {  	[sflag:s18] =	ssyncset.done $0x0  }
0x22: {  	s19 =	sadd.s32 $0x9000, s22;
	s25 =	sor.u32 $0x8, s24;
	[sflag:s18] =	ssyncadd.s32 $0xFFFF8000  }
0x23: {  	[tilespmem:s8], [sflag:$0x1] =	stream.indirect.gather [hbm4b:s19+s7], $0x40, s3, s7, $0xb8;
	[tilespmem:$0x10400] =	vst v63  }
0x24: {  	s20 =	sadd.s32 s20, s25  }
0x25: {  	[hbm4b:s20+s14] =	stream.strided.scatter [tilespmem:s12], [sflag:$0x3], $0x8000, s15, s14, $0x38;
	[tilespmem:$0x10400] =	vst v63  }
0x26: {  	s21 =	sadd.s32 $0x4800, s21  }
0x27: {  	[tilespmem:s7], [sflag:$0x4] =	stream.linear.gather [hbm4b:s21+s3], $0x200, $0x38;
	[tilespmem:$0x10400] =	vst v63  }
0x28: {  	_ =	swait.ge [sflag:s5], $0x200  }
0x29: {  	[sflag:s5] =	ssyncset.done $0x0  }
0x2a: {  	[sflag:s5] =	ssyncadd.s32 $0xFFFFFE00  }
0x2b: {  	_ =	swait.ge [sflag:s10], $0x8000  }
0x2c: {  	[sflag:s10] =	ssyncset.done $0x0  }
0x2d: {  	[sflag:s10] =	ssyncadd.s32 $0xFFFF8000  }
0x2e: {  	_ =	swait.ge [sflag:s18], $0x8000  }
0x2f: {  	[sflag:s18] =	ssyncset.done $0x0  }
0x30: {  	s26 =	sadd.s32 $0x4B000, s22;
	[sflag:s18] =	ssyncadd.s32 $0xFFFF8000  }
0x31: {  	[tilespmem:s12], [sflag:$0x2] =	stream.indirect.gather [hbm4b:s2+s7], $0x40, s7, s7, $0xb8;
	[tilespmem:$0x10400] =	vst v63  }
0x32: {  	s23 =	ssub.s32 $0x2, s23;
	s22 =	sadd.s32 s26, s24  }
0x33: {  	[hbm4b:s22+s14] =	stream.strided.scatter [tilespmem:s8], [sflag:$0x3], $0x8000, s15, s14, $0x38;
	[tilespmem:$0x10400] =	vst v63  }
0x34: {  	s31 =	sshrl.u32 s23, $0x1;
	_ =	swait.ge [sflag:s17], $0x8000  }
0x35: {  	s24 =	ssub.s32 s23, s31;
	[sflag:s17] =	ssyncset.done $0x0  }
0x36: {  	s24 =	smax.u32 s24, $0x1;
	[sflag:s17] =	ssyncadd.s32 $0xFFFF8000  }
0x37: {  	p0 =	sne.s32 s24, $0x1;
	_ =	swait.ge [sflag:s18], $0x8000  }
.Ltmp0:
0x38: {  	[sflag:s18] =	ssyncset.done $0x0;
	(pc) =	sbr.rel @!p0 .LBB2_2-.Ltmp0, $4  }
0x39: {  	s23 =	sadd.s32 s26, s25;
	[sflag:s18] =	ssyncadd.s32 $0xFFFF8000  }
0x3a: {  	[hbm4b:s23+s14] =	stream.strided.scatter [tilespmem:s12], [sflag:$0x3], $0x8000, s15, s14, $0x38;
	[tilespmem:$0x10400] =	vst v63  }
0x3b: {  	_ =	swait.ge [sflag:s18], $0x8000  }
0x3c: {  	s24 =	sadd.s32 $0xFFFFFFFF, s24;
	[sflag:s18] =	ssyncset.done $0x0  }
.LBB2_1:
0x3d: {  	p0 =	sne.s32 s24, $0x1;
	s24 =	sadd.s32 $0xFFFFFFFF, s24;
	[sflag:s18] =	ssyncadd.s32 $0xFFFF8000  }
0x3e: {  	[tilespmem:s3], [sflag:$0x4] =	stream.linear.gather [hbm4b:s4+s3], $0x200, $0x38;
	[tilespmem:$0x10400] =	vst v63  }
0x3f: {  	_ =	swait.ge [sflag:s5], $0x200  }
0x40: {  	[sflag:s5] =	ssyncset.done $0x0  }
0x41: {  	[sflag:s5] =	ssyncadd.s32 $0xFFFFFE00  }
0x42: {  	[tilespmem:s8], [sflag:$0x1] =	stream.indirect.gather [hbm4b:s6+s7], $0x40, s3, s7, $0xb8;
	[tilespmem:$0x10400] =	vst v63  }
0x43: {  	_ = 	snop  }
0x44: {  	[tilespmem:s7], [sflag:$0x4] =	stream.linear.gather [hbm4b:s9+s3], $0x200, $0x38;
	[tilespmem:$0x10400] =	vst v63  }
0x45: {  	_ =	swait.ge [sflag:s5], $0x200  }
0x46: {  	[sflag:s5] =	ssyncset.done $0x0  }
0x47: {  	[sflag:s5] =	ssyncadd.s32 $0xFFFFFE00  }
0x48: {  	_ =	swait.ge [sflag:s10], $0x8000  }
0x49: {  	[sflag:s10] =	ssyncset.done $0x0  }
0x4a: {  	[sflag:s10] =	ssyncadd.s32 $0xFFFF8000  }
0x4b: {  	[tilespmem:s12], [sflag:$0x2] =	stream.indirect.gather [hbm4b:s11+s7], $0x40, s7, s7, $0xb8;
	[tilespmem:$0x10400] =	vst v63  }
0x4c: {  	_ = 	snop  }
0x4d: {  	[hbm4b:s13+s14] =	stream.strided.scatter [tilespmem:s8], [sflag:$0x3], $0x8000, s15, s14, $0x38;
	[tilespmem:$0x10400] =	vst v63  }
0x4e: {  	_ = 	snop  }
0x4f: {  	[tilespmem:s3], [sflag:$0x4] =	stream.linear.gather [hbm4b:s16+s3], $0x200, $0x38;
	[tilespmem:$0x10400] =	vst v63  }
0x50: {  	_ =	swait.ge [sflag:s5], $0x200  }
0x51: {  	[sflag:s5] =	ssyncset.done $0x0  }
0x52: {  	[sflag:s5] =	ssyncadd.s32 $0xFFFFFE00  }
0x53: {  	_ =	swait.ge [sflag:s17], $0x8000  }
0x54: {  	[sflag:s17] =	ssyncset.done $0x0  }
0x55: {  	[sflag:s17] =	ssyncadd.s32 $0xFFFF8000  }
0x56: {  	_ =	swait.ge [sflag:s18], $0x8000  }
0x57: {  	[sflag:s18] =	ssyncset.done $0x0  }
0x58: {  	[sflag:s18] =	ssyncadd.s32 $0xFFFF8000  }
0x59: {  	[tilespmem:s8], [sflag:$0x1] =	stream.indirect.gather [hbm4b:s19+s7], $0x40, s3, s7, $0xb8;
	[tilespmem:$0x10400] =	vst v63  }
0x5a: {  	_ = 	snop  }
0x5b: {  	[hbm4b:s20+s14] =	stream.strided.scatter [tilespmem:s12], [sflag:$0x3], $0x8000, s15, s14, $0x38;
	[tilespmem:$0x10400] =	vst v63  }
0x5c: {  	_ = 	snop  }
0x5d: {  	[tilespmem:s7], [sflag:$0x4] =	stream.linear.gather [hbm4b:s21+s3], $0x200, $0x38;
	[tilespmem:$0x10400] =	vst v63  }
0x5e: {  	_ =	swait.ge [sflag:s5], $0x200  }
0x5f: {  	[sflag:s5] =	ssyncset.done $0x0  }
0x60: {  	[sflag:s5] =	ssyncadd.s32 $0xFFFFFE00  }
0x61: {  	_ =	swait.ge [sflag:s10], $0x8000  }
0x62: {  	[sflag:s10] =	ssyncset.done $0x0  }
0x63: {  	[sflag:s10] =	ssyncadd.s32 $0xFFFF8000  }
0x64: {  	_ =	swait.ge [sflag:s18], $0x8000  }
0x65: {  	[sflag:s18] =	ssyncset.done $0x0  }
0x66: {  	[sflag:s18] =	ssyncadd.s32 $0xFFFF8000  }
0x67: {  	[tilespmem:s12], [sflag:$0x2] =	stream.indirect.gather [hbm4b:s2+s7], $0x40, s7, s7, $0xb8;
	[tilespmem:$0x10400] =	vst v63  }
0x68: {  	_ = 	snop  }
0x69: {  	[hbm4b:s22+s14] =	stream.strided.scatter [tilespmem:s8], [sflag:$0x3], $0x8000, s15, s14, $0x38;
	[tilespmem:$0x10400] =	vst v63  }
0x6a: {  	_ =	swait.ge [sflag:s17], $0x8000  }
0x6b: {  	[sflag:s17] =	ssyncset.done $0x0  }
0x6c: {  	[sflag:s17] =	ssyncadd.s32 $0xFFFF8000  }
0x6d: {  	_ =	swait.ge [sflag:s18], $0x8000  }
.Ltmp1:
0x6e: {  	[sflag:s18] =	ssyncset.done $0x0;
	(pc) =	sbr.rel @p0 .LBB2_1-.Ltmp1, $4  }
0x6f: {  	[sflag:s18] =	ssyncadd.s32 $0xFFFF8000  }
0x70: {  	[hbm4b:s23+s14] =	stream.strided.scatter [tilespmem:s12], [sflag:$0x3], $0x8000, s15, s14, $0x38;
	[tilespmem:$0x10400] =	vst v63  }
0x71: {  	_ =	swait.ge [sflag:s18], $0x8000  }
0x72: {  	[sflag:s18] =	ssyncset.done $0x0  }
.LBB2_2:
0x73: {  	[sflag:s18] =	ssyncadd.s32 $0xFFFF8000  }
0x74: {  	_ =	sfence.sel $0x180000  }
0x75: {  	[bflag:$0x0] =	sbarrier.arrive $0xFFFF  }
0x76: {  	p0 =	sne.s32 s0, $0x0;
	_ =	strace $0x90000047  }
0x77: {  	s0 =	sadd.s32 @!p0 $0x100000, s1;
	[bflag:$0x2] =	sbarrier.arrive $0xFFFF  }
0x78: {  	[sflag:s0] =	ssyncadd.tile.s32 @!p0 $0x1;
	_ =	shalt  }
.Lfunc_end2:
_tile_overlayer_lowered:
.L_overlay_start_2:
0x79: {  	(tag) =	ssettag $0x2  }
0x7a: {  	s0 =	rddreg [dreg:$0x0];
	s2 =	stileid.u32  }
0x7b: {  	s1 =	rddreg [dreg:$0x1];
	p0 =	sne.s32 s2, $0x0  }
0x7c: {  	s3 =	rddreg [dreg:$0x2];
	[bflag:$0x3] =	sbarrier.arrive $0xFFFF;
	s2 =	simm.s32 @!p0 $0x1C04  }
0x7d: {  	[timem:s3], [sflag:s2] =	dma.local @!p0 [hbm:s0], s1  }
0x7e: {  	s0 =	simm.s32 @!p0 $0x4  }
0x7f: {  	_ =	swait.ge @!p0 [sflag:s0], s1  }
0x80: {  	s1 =	ssub.s32 @!p0 $0x0, s1;
	[sflag:s0] =	ssyncset.done @!p0 $0x0  }
0x81: {  	[sflag:s0] =	ssyncadd.s32 @!p0 s1  }
0x82: {  	[bflag:$0x3] =	sbarrier.arrive $0xFFFF  }
0x83: {  	_ =	shalt  }

</sc_bundles>
